<compile_context>
chip_gen: v7x
topology: tpu7x:2x2x1
jax: 0.10.2.dev20260603
libtpu: 0.0.44.dev20260713+nightly
codegen_flags: <defaults>
</compile_context>

<pallas_src>
import functools

import jax
import jax.numpy as jnp
from jax import lax
from jax.experimental import pallas as pl
from jax.experimental.pallas import tpu as pltpu
from jax.experimental.pallas import tpu_sc as plsc

N = 10000
E = 320000
DE = 16
DF = 128

NC, NS = 2, 16
NW = NC * NS
PER_TILE = E // NW
CH_E = 1000
NCHUNK = PER_TILE // CH_E
N_STRIPE = 624
N_TAIL = N - N_STRIPE * NS

_BATCHES = [(j * 128, 128) for j in range(7)] + [(896, 104)]
assert sum(bi for _, bi in _BATCHES) == CH_E

_mesh = plsc.VectorSubcoreMesh(core_axis_name="c", subcore_axis_name="s")


@functools.partial(
    pl.kernel,
    out_type=jax.ShapeDtypeStruct((NC, N, DE), jnp.float32),
    mesh=_mesh,
    scratch_types=[
        pltpu.VMEM((2, CH_E), jnp.int32),
        pltpu.VMEM((2, DE, CH_E), jnp.float32),
        pltpu.VMEM((2, CH_E, DE), jnp.float32),
        pltpu.VMEM_SHARED((N, DE), jnp.float32),
        pltpu.SemaphoreType.DMA,
        pltpu.SemaphoreType.DMA,
        pltpu.SemaphoreType.DMA,
    ],
    compiler_params=pltpu.CompilerParams(use_tc_tiling_on_sc=False,
                                         needs_layout_passes=False),
)
def _sc_agg(ei_hbm, attrt_hbm, zeros_hbm, out_hbm, idx_v, colst_v, rows_v,
            shared, sem_l0, sem_l1, sem_s):
    cid = lax.axis_index("c")
    sid = lax.axis_index("s")
    wid = cid * NS + sid

    edge_base = wid * PER_TILE
    recv = ei_hbm.at[1]
    sems = (sem_l0, sem_l1)
    iota16 = lax.iota(jnp.int32, 16)

    def _start_load(c, buf):
        pltpu.async_copy(recv.at[pl.ds(edge_base + c * CH_E, CH_E)],
                         idx_v.at[buf], sems[buf])
        pltpu.async_copy(attrt_hbm.at[:, pl.ds(edge_base + c * CH_E, CH_E)],
                         colst_v.at[buf], sems[buf])

    _start_load(0, 0)
    _start_load(1, 1)

    pltpu.sync_copy(zeros_hbm.at[pl.ds(sid * N_STRIPE, N_STRIPE)],
                    shared.at[pl.ds(sid * N_STRIPE, N_STRIPE)])

    @pl.when(sid == NS - 1)
    def _zero_tail():
        pltpu.sync_copy(zeros_hbm.at[pl.ds(N_STRIPE * NS, N_TAIL)],
                        shared.at[pl.ds(N_STRIPE * NS, N_TAIL)])

    plsc.subcore_barrier()

    def _wait_load(buf):
        pltpu.make_async_copy(recv.at[pl.ds(0, CH_E)],
                              idx_v.at[buf], sems[buf]).wait()
        pltpu.make_async_copy(attrt_hbm.at[:, pl.ds(0, CH_E)],
                              colst_v.at[buf], sems[buf]).wait()

    def _transpose(buf):
        colst_b = colst_v.at[buf]
        rows_b = rows_v.at[buf]

        @plsc.parallel_loop(0, CH_E, unroll=8)
        def _t(e):
            vec = plsc.load_gather(colst_b,
                                   [iota16, jnp.full((16,), e, jnp.int32)])
            rows_b[e] = vec

    def _fire_scatters(buf):
        descs = []
        for off, bi in _BATCHES:
            descs.append(pltpu.async_copy(
                rows_v.at[buf].at[pl.ds(off, bi)],
                shared.at[idx_v.at[buf].at[pl.ds(off, bi)]],
                sem_s, add=True))
        return descs

    def _drain(descs):
        for d in descs:
            d.wait()

    @pl.loop(0, NCHUNK, step=2)
    def _pair(c):
        _wait_load(0)
        _transpose(0)
        d0 = _fire_scatters(0)
        _wait_load(1)
        _transpose(1)
        _drain(d0)

        @pl.when(c + 2 < NCHUNK)
        def _prefetch0():
            _start_load(c + 2, 0)

        d1 = _fire_scatters(1)
        _drain(d1)

        @pl.when(c + 3 < NCHUNK)
        def _prefetch1():
            _start_load(c + 3, 1)

    plsc.subcore_barrier()
    pltpu.sync_copy(shared.at[pl.ds(sid * N_STRIPE, N_STRIPE)],
                    out_hbm.at[cid].at[pl.ds(sid * N_STRIPE, N_STRIPE)])

    @pl.when(sid == NS - 1)
    def _out_tail():
        pltpu.sync_copy(shared.at[pl.ds(N_STRIPE * NS, N_TAIL)],
                        out_hbm.at[cid].at[pl.ds(N_STRIPE * NS, N_TAIL)])


_RB = 2000


def _mlp_body(x_ref, p_ref, wx_ref, we_ref, b_ref, o_ref):
    agg = p_ref[0] + p_ref[1]
    o_ref[...] = (
        jnp.dot(x_ref[...], wx_ref[...], preferred_element_type=jnp.float32)
        + jnp.dot(agg, we_ref[...], preferred_element_type=jnp.float32)
        + b_ref[...]
    )


def _mlp(x, parts, wx, we, b2):
    return pl.pallas_call(
        _mlp_body,
        grid=(N // _RB,),
        in_specs=[
            pl.BlockSpec((_RB, DF), lambda i: (i, 0)),
            pl.BlockSpec((NC, _RB, DE), lambda i: (0, i, 0)),
            pl.BlockSpec((DF, DF), lambda i: (0, 0)),
            pl.BlockSpec((DE, DF), lambda i: (0, 0)),
            pl.BlockSpec((1, DF), lambda i: (0, 0)),
        ],
        out_specs=pl.BlockSpec((_RB, DF), lambda i: (i, 0)),
        out_shape=jax.ShapeDtypeStruct((N, DF), jnp.float32),
    )(x, parts, wx, we, b2)


def kernel(x, edge_index, edge_attr, pos, W, b):
    zeros = jnp.zeros((N, DE), jnp.float32)
    parts = _sc_agg(edge_index, edge_attr.T, zeros)
    x_ = _mlp(x, parts, W[:DF], W[DF:], b.reshape(1, DF))
    return (x_, edge_attr, edge_index, pos)

# --- scband reference (transcript-rebuilt; emitter-appended) ---
"""Pipeline reference for scband-node-block-17008070492484 (READ-ONLY COPY).

The authoritative reference and input builder live on the scoring server;
editing this copy changes nothing except your own understanding.
"""

import jax, jax.numpy as jnp
import numpy as np

N = 10000
E = 320000
D_FEAT = 128
D_EDGE = 16


def setup_inputs(seed: int = 0) -> dict:
    key = jax.random.key(seed)
    k1, k2, k3, k4, k5, k6 = jax.random.split(key, 6)
    x = jax.random.normal(k1, (N, D_FEAT), dtype=jnp.float32)
    edge_index = jax.random.randint(k2, (2, E), 0, N, dtype=jnp.int32)
    edge_attr = jax.random.normal(k3, (E, D_EDGE), dtype=jnp.float32)
    pos = jax.random.normal(k4, (N, 3), dtype=jnp.float32)
    # model_fn = nn.Linear(D_FEAT + D_EDGE, D_FEAT)
    fan_in = D_FEAT + D_EDGE
    bound = 1.0 / np.sqrt(fan_in)
    W = jax.random.uniform(k5, (fan_in, D_FEAT), minval=-bound, maxval=bound, dtype=jnp.float32)
    b = jax.random.uniform(k6, (D_FEAT,), minval=-bound, maxval=bound, dtype=jnp.float32)
    return {"x": x, "edge_index": edge_index, "edge_attr": edge_attr, "pos": pos, "W": W, "b": b}


def reference(x, edge_index, edge_attr, pos, W, b):
    # NodeBlock.forward: aggregate incoming edge features per receiver node,
    # concat with node features, apply model_fn (Linear).
    receivers_indx = edge_index[1]
    agrr_edge_features = jax.ops.segment_sum(edge_attr, receivers_indx, num_segments=x.shape[0])
    node_inputs = jnp.concatenate([x, agrr_edge_features], axis=-1)
    x_ = node_inputs @ W + b
    # Returned Data(x=x_, edge_attr=edge_attr, edge_index=edge_index, pos=pos)
    return (x_, edge_attr, edge_index, pos)

if __name__ == "__main__":
    import jax
    _d = setup_inputs()
    print(jax.jit(kernel)(*tuple(_d.values())))

</pallas_src>

<mosaic_0001>
#map = affine_map<(d0, d1) -> (0, 0)>
#map1 = affine_map<(d0, d1) -> (0, 0, 0)>
module attributes {stable_mosaic.version = 14 : i64} {
  func.func @_sc_agg(%arg0: i32, %arg1: i32, %arg2: memref<2x320000xi32, #tpu.memory_space<hbm>>, %arg3: memref<16x320000xf32, #tpu.memory_space<hbm>>, %arg4: memref<10000x16xf32, #tpu.memory_space<hbm>>, %arg5: memref<2x10000x16xf32, #tpu.memory_space<hbm>>, %arg6: memref<2x1000xi32, #tpu.memory_space<vmem>>, %arg7: memref<2x16x1000xf32, #tpu.memory_space<vmem>>, %arg8: memref<2x1000x16xf32, #tpu.memory_space<vmem>>, %arg9: memref<10000x16xf32, #tpu.memory_space<vmem_shared>>, %arg10: memref<!tpu.dma_semaphore, #tpu.memory_space<semaphore_mem>>, %arg11: memref<!tpu.dma_semaphore, #tpu.memory_space<semaphore_mem>>, %arg12: memref<!tpu.dma_semaphore, #tpu.memory_space<semaphore_mem>>) attributes {dimension_semantics = [#tpu.dimension_semantics<core_parallel>, #tpu.dimension_semantics<subcore_parallel>], iteration_bounds = array<i64: 2, 16>, scalar_prefetch = 0 : i64, scratch_operands = 7 : i64, tpu.core_type = #tpu.core_type<sc_vector_subcore>, window_params = [{transform_indices = #map}, {transform_indices = #map}, {transform_indices = #map}, {transform_indices = #map1}]} {
    %mul3A = arith.constant 16 : i32
    %mul3A_0 = arith.muli %arg0, %mul3A : i32
    %add3A = arith.addi %mul3A_0, %arg1 : i32
    %mul3A_1 = arith.constant 10000 : i32
    %mul3A_2 = arith.muli %add3A, %mul3A_1 : i32
    %iota3A = tpu.iota {dimensions = array<i32: 0>} : vector<16xi32>
    %add3A_3 = arith.constant 0 : i32
    %add3A_4 = arith.addi %mul3A_2, %add3A_3 : i32
    %dma_start3A = arith.constant 1 : i32
    %dma_start3A_5 = arith.constant 0 : i32
    %dma_start3A_6 = arith.constant 0 : i32
    %dma_start3A_7 = tpu.memref_slice %arg6[%dma_start3A_5, %dma_start3A_6] : memref<2x1000xi32, #tpu.memory_space<vmem>> -> memref<1x1000xi32, #tpu.memory_space<vmem>>
    %dma_start3A_8 = tpu.memref_squeeze %dma_start3A_7 : memref<1x1000xi32, #tpu.memory_space<vmem>> -> memref<1000xi32, #tpu.memory_space<vmem>>
    %dma_start3A_9 = arith.constant 0 : i32
    %dma_start3A_10 = tpu.memref_slice %arg2[%dma_start3A, %dma_start3A_9] : memref<2x320000xi32, #tpu.memory_space<hbm>> -> memref<1x320000xi32, #tpu.memory_space<hbm>>
    %dma_start3A_11 = tpu.memref_squeeze %dma_start3A_10 : memref<1x320000xi32, #tpu.memory_space<hbm>> -> memref<320000xi32, #tpu.memory_space<hbm>>
    %dma_start3A_12 = tpu.memref_slice %dma_start3A_11[%add3A_4] : memref<320000xi32, #tpu.memory_space<hbm>> -> memref<1000xi32, #tpu.memory_space<hbm>>
    %dma_start3A_13 = arith.constant 0 : i32
    %dma_start3A_14 = tpu.memref_slice %arg6[%dma_start3A_5, %dma_start3A_13] : memref<2x1000xi32, #tpu.memory_space<vmem>> -> memref<1x1000xi32, #tpu.memory_space<vmem>>
    %dma_start3A_15 = tpu.memref_squeeze %dma_start3A_14 : memref<1x1000xi32, #tpu.memory_space<vmem>> -> memref<1000xi32, #tpu.memory_space<vmem>>
    %dma_start3A_16 = arith.constant 0 : i32
    %dma_start3A_17 = tpu.memref_slice %arg2[%dma_start3A, %dma_start3A_16] : memref<2x320000xi32, #tpu.memory_space<hbm>> -> memref<1x320000xi32, #tpu.memory_space<hbm>>
    %dma_start3A_18 = tpu.memref_squeeze %dma_start3A_17 : memref<1x320000xi32, #tpu.memory_space<hbm>> -> memref<320000xi32, #tpu.memory_space<hbm>>
    %dma_start3A_19 = tpu.memref_slice %dma_start3A_18[%add3A_4] : memref<320000xi32, #tpu.memory_space<hbm>> -> memref<1000xi32, #tpu.memory_space<hbm>>
    tpu.enqueue_dma source(%dma_start3A_19 : memref<1000xi32, #tpu.memory_space<hbm>>) target(%dma_start3A_15 : memref<1000xi32, #tpu.memory_space<vmem>>) target_semaphore(%arg10 : memref<!tpu.dma_semaphore, #tpu.memory_space<semaphore_mem>>)
    %add3A_20 = arith.constant 0 : i32
    %add3A_21 = arith.addi %mul3A_2, %add3A_20 : i32
    %dma_start3A_22 = arith.constant 0 : i32
    %dma_start3A_23 = arith.constant 0 : i32
    %dma_start3A_24 = arith.constant 0 : i32
    %dma_start3A_25 = tpu.memref_slice %arg7[%dma_start3A_22, %dma_start3A_23, %dma_start3A_24] : memref<2x16x1000xf32, #tpu.memory_space<vmem>> -> memref<1x16x1000xf32, #tpu.memory_space<vmem>>
    %dma_start3A_26 = tpu.memref_squeeze %dma_start3A_25 : memref<1x16x1000xf32, #tpu.memory_space<vmem>> -> memref<16x1000xf32, #tpu.memory_space<vmem>>
    %dma_start3A_27 = arith.constant 0 : i32
    %dma_start3A_28 = tpu.memref_slice %arg3[%dma_start3A_27, %add3A_21] : memref<16x320000xf32, #tpu.memory_space<hbm>> -> memref<16x1000xf32, #tpu.memory_space<hbm>>
    %dma_start3A_29 = arith.constant 0 : i32
    %dma_start3A_30 = arith.constant 0 : i32
    %dma_start3A_31 = tpu.memref_slice %arg7[%dma_start3A_22, %dma_start3A_29, %dma_start3A_30] : memref<2x16x1000xf32, #tpu.memory_space<vmem>> -> memref<1x16x1000xf32, #tpu.memory_space<vmem>>
    %dma_start3A_32 = tpu.memref_squeeze %dma_start3A_31 : memref<1x16x1000xf32, #tpu.memory_space<vmem>> -> memref<16x1000xf32, #tpu.memory_space<vmem>>
    %dma_start3A_33 = arith.constant 0 : i32
    %dma_start3A_34 = tpu.memref_slice %arg3[%dma_start3A_33, %add3A_21] : memref<16x320000xf32, #tpu.memory_space<hbm>> -> memref<16x1000xf32, #tpu.memory_space<hbm>>
    tpu.enqueue_dma source(%dma_start3A_34 : memref<16x1000xf32, #tpu.memory_space<hbm>>) target(%dma_start3A_32 : memref<16x1000xf32, #tpu.memory_space<vmem>>) target_semaphore(%arg10 : memref<!tpu.dma_semaphore, #tpu.memory_space<semaphore_mem>>)
    %add3A_35 = arith.constant 1000 : i32
    %add3A_36 = arith.addi %mul3A_2, %add3A_35 : i32
    %dma_start3A_37 = arith.constant 1 : i32
    %dma_start3A_38 = arith.constant 1 : i32
    %dma_start3A_39 = arith.constant 0 : i32
    %dma_start3A_40 = tpu.memref_slice %arg6[%dma_start3A_38, %dma_start3A_39] : memref<2x1000xi32, #tpu.memory_space<vmem>> -> memref<1x1000xi32, #tpu.memory_space<vmem>>
    %dma_start3A_41 = tpu.memref_squeeze %dma_start3A_40 : memref<1x1000xi32, #tpu.memory_space<vmem>> -> memref<1000xi32, #tpu.memory_space<vmem>>
    %dma_start3A_42 = arith.constant 0 : i32
    %dma_start3A_43 = tpu.memref_slice %arg2[%dma_start3A_37, %dma_start3A_42] : memref<2x320000xi32, #tpu.memory_space<hbm>> -> memref<1x320000xi32, #tpu.memory_space<hbm>>
    %dma_start3A_44 = tpu.memref_squeeze %dma_start3A_43 : memref<1x320000xi32, #tpu.memory_space<hbm>> -> memref<320000xi32, #tpu.memory_space<hbm>>
    %dma_start3A_45 = tpu.memref_slice %dma_start3A_44[%add3A_36] : memref<320000xi32, #tpu.memory_space<hbm>> -> memref<1000xi32, #tpu.memory_space<hbm>>
    %dma_start3A_46 = arith.constant 0 : i32
    %dma_start3A_47 = tpu.memref_slice %arg6[%dma_start3A_38, %dma_start3A_46] : memref<2x1000xi32, #tpu.memory_space<vmem>> -> memref<1x1000xi32, #tpu.memory_space<vmem>>
    %dma_start3A_48 = tpu.memref_squeeze %dma_start3A_47 : memref<1x1000xi32, #tpu.memory_space<vmem>> -> memref<1000xi32, #tpu.memory_space<vmem>>
    %dma_start3A_49 = arith.constant 0 : i32
    %dma_start3A_50 = tpu.memref_slice %arg2[%dma_start3A_37, %dma_start3A_49] : memref<2x320000xi32, #tpu.memory_space<hbm>> -> memref<1x320000xi32, #tpu.memory_space<hbm>>
    %dma_start3A_51 = tpu.memref_squeeze %dma_start3A_50 : memref<1x320000xi32, #tpu.memory_space<hbm>> -> memref<320000xi32, #tpu.memory_space<hbm>>
    %dma_start3A_52 = tpu.memref_slice %dma_start3A_51[%add3A_36] : memref<320000xi32, #tpu.memory_space<hbm>> -> memref<1000xi32, #tpu.memory_space<hbm>>
    tpu.enqueue_dma source(%dma_start3A_52 : memref<1000xi32, #tpu.memory_space<hbm>>) target(%dma_start3A_48 : memref<1000xi32, #tpu.memory_space<vmem>>) target_semaphore(%arg11 : memref<!tpu.dma_semaphore, #tpu.memory_space<semaphore_mem>>)
    %add3A_53 = arith.constant 1000 : i32
    %add3A_54 = arith.addi %mul3A_2, %add3A_53 : i32
    %dma_start3A_55 = arith.constant 1 : i32
    %dma_start3A_56 = arith.constant 0 : i32
    %dma_start3A_57 = arith.constant 0 : i32
    %dma_start3A_58 = tpu.memref_slice %arg7[%dma_start3A_55, %dma_start3A_56, %dma_start3A_57] : memref<2x16x1000xf32, #tpu.memory_space<vmem>> -> memref<1x16x1000xf32, #tpu.memory_space<vmem>>
    %dma_start3A_59 = tpu.memref_squeeze %dma_start3A_58 : memref<1x16x1000xf32, #tpu.memory_space<vmem>> -> memref<16x1000xf32, #tpu.memory_space<vmem>>
    %dma_start3A_60 = arith.constant 0 : i32
    %dma_start3A_61 = tpu.memref_slice %arg3[%dma_start3A_60, %add3A_54] : memref<16x320000xf32, #tpu.memory_space<hbm>> -> memref<16x1000xf32, #tpu.memory_space<hbm>>
    %dma_start3A_62 = arith.constant 0 : i32
    %dma_start3A_63 = arith.constant 0 : i32
    %dma_start3A_64 = tpu.memref_slice %arg7[%dma_start3A_55, %dma_start3A_62, %dma_start3A_63] : memref<2x16x1000xf32, #tpu.memory_space<vmem>> -> memref<1x16x1000xf32, #tpu.memory_space<vmem>>
    %dma_start3A_65 = tpu.memref_squeeze %dma_start3A_64 : memref<1x16x1000xf32, #tpu.memory_space<vmem>> -> memref<16x1000xf32, #tpu.memory_space<vmem>>
    %dma_start3A_66 = arith.constant 0 : i32
    %dma_start3A_67 = tpu.memref_slice %arg3[%dma_start3A_66, %add3A_54] : memref<16x320000xf32, #tpu.memory_space<hbm>> -> memref<16x1000xf32, #tpu.memory_space<hbm>>
    tpu.enqueue_dma source(%dma_start3A_67 : memref<16x1000xf32, #tpu.memory_space<hbm>>) target(%dma_start3A_65 : memref<16x1000xf32, #tpu.memory_space<vmem>>) target_semaphore(%arg11 : memref<!tpu.dma_semaphore, #tpu.memory_space<semaphore_mem>>)
    %mul3A_68 = arith.constant 624 : i32
    %mul3A_69 = arith.muli %arg1, %mul3A_68 : i32
    %mul3A_70 = arith.constant 624 : i32
    %mul3A_71 = arith.muli %arg1, %mul3A_70 : i32
    "tpu.region"() ({
      %run_scoped3A = tpu.sem_alloc : memref<!tpu.dma_semaphore, #tpu.memory_space<semaphore_mem>>
      %dma_start3A_89 = arith.constant 0 : i32
      %dma_start3A_90 = tpu.memref_slice %arg9[%mul3A_71, %dma_start3A_89] : memref<10000x16xf32, #tpu.memory_space<vmem_shared>> -> memref<624x16xf32, #tpu.memory_space<vmem_shared>>
      %dma_start3A_91 = arith.constant 0 : i32
      %dma_start3A_92 = tpu.memref_slice %arg4[%mul3A_69, %dma_start3A_91] : memref<10000x16xf32, #tpu.memory_space<hbm>> -> memref<624x16xf32, #tpu.memory_space<hbm>>
      tpu.enqueue_dma source(%dma_start3A_92 : memref<624x16xf32, #tpu.memory_space<hbm>>) target(%dma_start3A_90 : memref<624x16xf32, #tpu.memory_space<vmem_shared>>) target_semaphore(%run_scoped3A : memref<!tpu.dma_semaphore, #tpu.memory_space<semaphore_mem>>)
      %dma_wait3A = arith.constant 0 : i32
      %dma_wait3A_93 = tpu.memref_slice %arg9[%mul3A_71, %dma_wait3A] : memref<10000x16xf32, #tpu.memory_space<vmem_shared>> -> memref<624x16xf32, #tpu.memory_space<vmem_shared>>
      %dma_wait3A_94 = arith.constant 0 : i32
      %dma_wait3A_95 = tpu.memref_slice %arg4[%mul3A_69, %dma_wait3A_94] : memref<10000x16xf32, #tpu.memory_space<hbm>> -> memref<624x16xf32, #tpu.memory_space<hbm>>
      tpu.wait_dma2 semaphore(%run_scoped3A : memref<!tpu.dma_semaphore, #tpu.memory_space<semaphore_mem>>) src(%dma_wait3A_95 : memref<624x16xf32, #tpu.memory_space<hbm>>) dst(%dma_wait3A_93 : memref<624x16xf32, #tpu.memory_space<vmem_shared>>)
      tpu.yield
    }) : () -> ()
    %eq3A = arith.constant 15 : i32
    %eq3A_72 = arith.cmpi eq, %arg1, %eq3A : i32
    %convert_element_type3A = arith.extui %eq3A_72 : i1 to i32
    %cond3A = arith.constant 0 : i32
    %cond3A_73 = arith.cmpi ne, %convert_element_type3A, %cond3A : i32
    scf.if %cond3A_73 {
      "tpu.region"() ({
        %run_scoped3A = tpu.sem_alloc : memref<!tpu.dma_semaphore, #tpu.memory_space<semaphore_mem>>
        %dma_start3A_89 = arith.constant 9984 : i32
        %dma_start3A_90 = arith.constant 0 : i32
        %dma_start3A_91 = tpu.memref_slice %arg9[%dma_start3A_89, %dma_start3A_90] : memref<10000x16xf32, #tpu.memory_space<vmem_shared>> -> memref<16x16xf32, #tpu.memory_space<vmem_shared>>
        %dma_start3A_92 = arith.constant 9984 : i32
        %dma_start3A_93 = arith.constant 0 : i32
        %dma_start3A_94 = tpu.memref_slice %arg4[%dma_start3A_92, %dma_start3A_93] : memref<10000x16xf32, #tpu.memory_space<hbm>> -> memref<16x16xf32, #tpu.memory_space<hbm>>
        tpu.enqueue_dma source(%dma_start3A_94 : memref<16x16xf32, #tpu.memory_space<hbm>>) target(%dma_start3A_91 : memref<16x16xf32, #tpu.memory_space<vmem_shared>>) target_semaphore(%run_scoped3A : memref<!tpu.dma_semaphore, #tpu.memory_space<semaphore_mem>>)
        %dma_wait3A = arith.constant 9984 : i32
        %dma_wait3A_95 = arith.constant 0 : i32
        %dma_wait3A_96 = tpu.memref_slice %arg9[%dma_wait3A, %dma_wait3A_95] : memref<10000x16xf32, #tpu.memory_space<vmem_shared>> -> memref<16x16xf32, #tpu.memory_space<vmem_shared>>
        %dma_wait3A_97 = arith.constant 9984 : i32
        %dma_wait3A_98 = arith.constant 0 : i32
        %dma_wait3A_99 = tpu.memref_slice %arg4[%dma_wait3A_97, %dma_wait3A_98] : memref<10000x16xf32, #tpu.memory_space<hbm>> -> memref<16x16xf32, #tpu.memory_space<hbm>>
        tpu.wait_dma2 semaphore(%run_scoped3A : memref<!tpu.dma_semaphore, #tpu.memory_space<semaphore_mem>>) src(%dma_wait3A_99 : memref<16x16xf32, #tpu.memory_space<hbm>>) dst(%dma_wait3A_96 : memref<16x16xf32, #tpu.memory_space<vmem_shared>>)
        tpu.yield
      }) : () -> ()
    } else {
    }
    %barrier3A = arith.constant 0 : index
    tpu.barrier barrier_id(%barrier3A)
    %scan3A = arith.constant 1 : i32
    %scan3A_74 = arith.constant 0 : i32
    %scan3A_75 = arith.constant 5 : i32
    %scan3A_76 = arith.addi %scan3A_74, %scan3A_75 : i32
    %scan3A_77 = arith.constant 1 : i32
    scf.for %scan3A_89 = %scan3A_74 to %scan3A_76 step %scan3A_77  : i32 {
      %mul3A_90 = arith.constant 2 : i32
      %mul3A_91 = arith.muli %scan3A_89, %mul3A_90 : i32
      %add3A_92 = arith.constant 0 : i32
      %add3A_93 = arith.addi %add3A_92, %mul3A_91 : i32
      %dma_wait3A = arith.constant 0 : i32
      %dma_wait3A_94 = arith.constant 0 : i32
      %dma_wait3A_95 = tpu.memref_slice %arg6[%dma_wait3A, %dma_wait3A_94] : memref<2x1000xi32, #tpu.memory_space<vmem>> -> memref<1x1000xi32, #tpu.memory_space<vmem>>
      %dma_wait3A_96 = tpu.memref_squeeze %dma_wait3A_95 : memref<1x1000xi32, #tpu.memory_space<vmem>> -> memref<1000xi32, #tpu.memory_space<vmem>>
      %dma_wait3A_97 = arith.constant 0 : i32
      %dma_wait3A_98 = tpu.memref_slice %arg2[%scan3A, %dma_wait3A_97] : memref<2x320000xi32, #tpu.memory_space<hbm>> -> memref<1x320000xi32, #tpu.memory_space<hbm>>
      %dma_wait3A_99 = tpu.memref_squeeze %dma_wait3A_98 : memref<1x320000xi32, #tpu.memory_space<hbm>> -> memref<320000xi32, #tpu.memory_space<hbm>>
      %dma_wait3A_100 = arith.constant 0 : i32
      %dma_wait3A_101 = tpu.memref_slice %dma_wait3A_99[%dma_wait3A_100] : memref<320000xi32, #tpu.memory_space<hbm>> -> memref<1000xi32, #tpu.memory_space<hbm>>
      %dma_wait3A_102 = arith.constant 0 : i32
      %dma_wait3A_103 = tpu.memref_slice %arg6[%dma_wait3A, %dma_wait3A_102] : memref<2x1000xi32, #tpu.memory_space<vmem>> -> memref<1x1000xi32, #tpu.memory_space<vmem>>
      %dma_wait3A_104 = tpu.memref_squeeze %dma_wait3A_103 : memref<1x1000xi32, #tpu.memory_space<vmem>> -> memref<1000xi32, #tpu.memory_space<vmem>>
      %dma_wait3A_105 = arith.constant 0 : i32
      %dma_wait3A_106 = tpu.memref_slice %arg2[%scan3A, %dma_wait3A_105] : memref<2x320000xi32, #tpu.memory_space<hbm>> -> memref<1x320000xi32, #tpu.memory_space<hbm>>
      %dma_wait3A_107 = tpu.memref_squeeze %dma_wait3A_106 : memref<1x320000xi32, #tpu.memory_space<hbm>> -> memref<320000xi32, #tpu.memory_space<hbm>>
      %dma_wait3A_108 = arith.constant 0 : i32
      %dma_wait3A_109 = tpu.memref_slice %dma_wait3A_107[%dma_wait3A_108] : memref<320000xi32, #tpu.memory_space<hbm>> -> memref<1000xi32, #tpu.memory_space<hbm>>
      tpu.wait_dma2 semaphore(%arg10 : memref<!tpu.dma_semaphore, #tpu.memory_space<semaphore_mem>>) src(%dma_wait3A_109 : memref<1000xi32, #tpu.memory_space<hbm>>) dst(%dma_wait3A_104 : memref<1000xi32, #tpu.memory_space<vmem>>)
      %dma_wait3A_110 = arith.constant 0 : i32
      %dma_wait3A_111 = arith.constant 0 : i32
      %dma_wait3A_112 = arith.constant 0 : i32
      %dma_wait3A_113 = tpu.memref_slice %arg7[%dma_wait3A_110, %dma_wait3A_111, %dma_wait3A_112] : memref<2x16x1000xf32, #tpu.memory_space<vmem>> -> memref<1x16x1000xf32, #tpu.memory_space<vmem>>
      %dma_wait3A_114 = tpu.memref_squeeze %dma_wait3A_113 : memref<1x16x1000xf32, #tpu.memory_space<vmem>> -> memref<16x1000xf32, #tpu.memory_space<vmem>>
      %dma_wait3A_115 = arith.constant 0 : i32
      %dma_wait3A_116 = arith.constant 0 : i32
      %dma_wait3A_117 = tpu.memref_slice %arg3[%dma_wait3A_115, %dma_wait3A_116] : memref<16x320000xf32, #tpu.memory_space<hbm>> -> memref<16x1000xf32, #tpu.memory_space<hbm>>
      %dma_wait3A_118 = arith.constant 0 : i32
      %dma_wait3A_119 = arith.constant 0 : i32
      %dma_wait3A_120 = tpu.memref_slice %arg7[%dma_wait3A_110, %dma_wait3A_118, %dma_wait3A_119] : memref<2x16x1000xf32, #tpu.memory_space<vmem>> -> memref<1x16x1000xf32, #tpu.memory_space<vmem>>
      %dma_wait3A_121 = tpu.memref_squeeze %dma_wait3A_120 : memref<1x16x1000xf32, #tpu.memory_space<vmem>> -> memref<16x1000xf32, #tpu.memory_space<vmem>>
      %dma_wait3A_122 = arith.constant 0 : i32
      %dma_wait3A_123 = arith.constant 0 : i32
      %dma_wait3A_124 = tpu.memref_slice %arg3[%dma_wait3A_122, %dma_wait3A_123] : memref<16x320000xf32, #tpu.memory_space<hbm>> -> memref<16x1000xf32, #tpu.memory_space<hbm>>
      tpu.wait_dma2 semaphore(%arg10 : memref<!tpu.dma_semaphore, #tpu.memory_space<semaphore_mem>>) src(%dma_wait3A_124 : memref<16x1000xf32, #tpu.memory_space<hbm>>) dst(%dma_wait3A_121 : memref<16x1000xf32, #tpu.memory_space<vmem>>)
      %parallel_loop3A = arith.constant 0 : i32
      %parallel_loop3A_125 = arith.constant 1000 : i32
      %parallel_loop3A_126 = arith.constant 1 : i32
      %parallel_loop3A_127 = arith.constant 0 : i32
      %parallel_loop3A_128 = arith.constant 0 : i32
      scf.for %parallel_loop3A_723 = %parallel_loop3A to %parallel_loop3A_125 step %parallel_loop3A_126  : i32 {
        %parallel_loop3A_724 = vector.broadcast %parallel_loop3A_723 : i32 to vector<16xi32>
        %parallel_loop3A_725 = arith.constant 0 : i32
        %parallel_loop3A_726 = arith.constant 0 : i32
        %parallel_loop3A_727 = tpu.memref_slice %arg7[%parallel_loop3A_127, %parallel_loop3A_725, %parallel_loop3A_726] : memref<2x16x1000xf32, #tpu.memory_space<vmem>> -> memref<1x16x1000xf32, #tpu.memory_space<vmem>>
        %parallel_loop3A_728 = tpu.memref_squeeze %parallel_loop3A_727 : memref<1x16x1000xf32, #tpu.memory_space<vmem>> -> memref<16x1000xf32, #tpu.memory_space<vmem>>
        %parallel_loop3A_729 = tpu.vector_load_idx %parallel_loop3A_728[%iota3A, %parallel_loop3A_724] : memref<16x1000xf32, #tpu.memory_space<vmem>>[vector<16xi32>, vector<16xi32>], vector<16xf32>,
        %parallel_loop3A_730 = arith.constant 0 : i32
        %parallel_loop3A_731 = arith.constant 0 : i32
        %parallel_loop3A_732 = tpu.memref_slice %arg8[%parallel_loop3A_128, %parallel_loop3A_730, %parallel_loop3A_731] : memref<2x1000x16xf32, #tpu.memory_space<vmem>> -> memref<1x1000x16xf32, #tpu.memory_space<vmem>>
        %parallel_loop3A_733 = tpu.memref_squeeze %parallel_loop3A_732 : memref<1x1000x16xf32, #tpu.memory_space<vmem>> -> memref<1000x16xf32, #tpu.memory_space<vmem>>
        %parallel_loop3A_734 = arith.index_cast %parallel_loop3A_723 : i32 to index
        %parallel_loop3A_735 = arith.constant 0 : index
        %parallel_loop3A_736 = tpu.vector_load %parallel_loop3A_733[%parallel_loop3A_734, %parallel_loop3A_735] {strides = array<i32>} : memref<1000x16xf32, #tpu.memory_space<vmem>>, vector<16xf32>,
        tpu.vector_store %parallel_loop3A_733[%parallel_loop3A_734, %parallel_loop3A_735], %parallel_loop3A_729 {strides = array<i32>} : memref<1000x16xf32, #tpu.memory_space<vmem>>, vector<16xf32>,
      } {sc.loop_unroll_factor = 8 : i64, sc.parallel_access}
      %dma_start3A_129 = arith.constant 0 : i32
      %dma_start3A_130 = arith.constant 0 : i32
      %dma_start3A_131 = arith.constant 0 : i32
      %dma_start3A_132 = arith.constant 0 : i32
      %dma_start3A_133 = tpu.memref_slice %arg8[%dma_start3A_129, %dma_start3A_131, %dma_start3A_132] : memref<2x1000x16xf32, #tpu.memory_space<vmem>> -> memref<1x1000x16xf32, #tpu.memory_space<vmem>>
      %dma_start3A_134 = tpu.memref_squeeze %dma_start3A_133 : memref<1x1000x16xf32, #tpu.memory_space<vmem>> -> memref<1000x16xf32, #tpu.memory_space<vmem>>
      %dma_start3A_135 = arith.constant 0 : i32
      %dma_start3A_136 = arith.constant 0 : i32
      %dma_start3A_137 = tpu.memref_slice %dma_start3A_134[%dma_start3A_135, %dma_start3A_136] : memref<1000x16xf32, #tpu.memory_space<vmem>> -> memref<128x16xf32, #tpu.memory_space<vmem>>
      %dma_start3A_138 = arith.constant 0 : i32
      %dma_start3A_139 = tpu.memref_slice %arg6[%dma_start3A_130, %dma_start3A_138] : memref<2x1000xi32, #tpu.memory_space<vmem>> -> memref<1x1000xi32, #tpu.memory_space<vmem>>
      %dma_start3A_140 = tpu.memref_squeeze %dma_start3A_139 : memref<1x1000xi32, #tpu.memory_space<vmem>> -> memref<1000xi32, #tpu.memory_space<vmem>>
      %dma_start3A_141 = arith.constant 0 : i32
      %dma_start3A_142 = tpu.memref_slice %dma_start3A_140[%dma_start3A_141] : memref<1000xi32, #tpu.memory_space<vmem>> -> memref<128xi32, #tpu.memory_space<vmem>>
      %dma_start3A_143 = arith.constant 0 : i32
      %dma_start3A_144 = arith.constant 0 : i32
      %dma_start3A_145 = tpu.memref_slice %arg9[%dma_start3A_143, %dma_start3A_144] : memref<10000x16xf32, #tpu.memory_space<vmem_shared>> -> memref<10000x16xf32, #tpu.memory_space<vmem_shared>>
      tpu.enqueue_indirect_dma source(%dma_start3A_137 : memref<128x16xf32, #tpu.memory_space<vmem>>) target(%dma_start3A_145 : memref<10000x16xf32, #tpu.memory_space<vmem_shared>>) offsets(%dma_start3A_142 : memref<128xi32, #tpu.memory_space<vmem>>) semaphore(%arg12 : memref<!tpu.dma_semaphore, #tpu.memory_space<semaphore_mem>>) {add = true}
      %dma_start3A_146 = arith.constant 0 : i32
      %dma_start3A_147 = arith.constant 0 : i32
      %dma_start3A_148 = arith.constant 0 : i32
      %dma_start3A_149 = arith.constant 0 : i32
      %dma_start3A_150 = tpu.memref_slice %arg8[%dma_start3A_146, %dma_start3A_148, %dma_start3A_149] : memref<2x1000x16xf32, #tpu.memory_space<vmem>> -> memref<1x1000x16xf32, #tpu.memory_space<vmem>>
      %dma_start3A_151 = tpu.memref_squeeze %dma_start3A_150 : memref<1x1000x16xf32, #tpu.memory_space<vmem>> -> memref<1000x16xf32, #tpu.memory_space<vmem>>
      %dma_start3A_152 = arith.constant 128 : i32
      %dma_start3A_153 = arith.constant 0 : i32
      %dma_start3A_154 = tpu.memref_slice %dma_start3A_151[%dma_start3A_152, %dma_start3A_153] : memref<1000x16xf32, #tpu.memory_space<vmem>> -> memref<128x16xf32, #tpu.memory_space<vmem>>
      %dma_start3A_155 = arith.constant 0 : i32
      %dma_start3A_156 = tpu.memref_slice %arg6[%dma_start3A_147, %dma_start3A_155] : memref<2x1000xi32, #tpu.memory_space<vmem>> -> memref<1x1000xi32, #tpu.memory_space<vmem>>
      %dma_start3A_157 = tpu.memref_squeeze %dma_start3A_156 : memref<1x1000xi32, #tpu.memory_space<vmem>> -> memref<1000xi32, #tpu.memory_space<vmem>>
      %dma_start3A_158 = arith.constant 128 : i32
      %dma_start3A_159 = tpu.memref_slice %dma_start3A_157[%dma_start3A_158] : memref<1000xi32, #tpu.memory_space<vmem>> -> memref<128xi32, #tpu.memory_space<vmem>>
      %dma_start3A_160 = arith.constant 0 : i32
      %dma_start3A_161 = arith.constant 0 : i32
      %dma_start3A_162 = tpu.memref_slice %arg9[%dma_start3A_160, %dma_start3A_161] : memref<10000x16xf32, #tpu.memory_space<vmem_shared>> -> memref<10000x16xf32, #tpu.memory_space<vmem_shared>>
      tpu.enqueue_indirect_dma source(%dma_start3A_154 : memref<128x16xf32, #tpu.memory_space<vmem>>) target(%dma_start3A_162 : memref<10000x16xf32, #tpu.memory_space<vmem_shared>>) offsets(%dma_start3A_159 : memref<128xi32, #tpu.memory_space<vmem>>) semaphore(%arg12 : memref<!tpu.dma_semaphore, #tpu.memory_space<semaphore_mem>>) {add = true}
      %dma_start3A_163 = arith.constant 0 : i32
      %dma_start3A_164 = arith.constant 0 : i32
      %dma_start3A_165 = arith.constant 0 : i32
      %dma_start3A_166 = arith.constant 0 : i32
      %dma_start3A_167 = tpu.memref_slice %arg8[%dma_start3A_163, %dma_start3A_165, %dma_start3A_166] : memref<2x1000x16xf32, #tpu.memory_space<vmem>> -> memref<1x1000x16xf32, #tpu.memory_space<vmem>>
      %dma_start3A_168 = tpu.memref_squeeze %dma_start3A_167 : memref<1x1000x16xf32, #tpu.memory_space<vmem>> -> memref<1000x16xf32, #tpu.memory_space<vmem>>
      %dma_start3A_169 = arith.constant 256 : i32
      %dma_start3A_170 = arith.constant 0 : i32
      %dma_start3A_171 = tpu.memref_slice %dma_start3A_168[%dma_start3A_169, %dma_start3A_170] : memref<1000x16xf32, #tpu.memory_space<vmem>> -> memref<128x16xf32, #tpu.memory_space<vmem>>
      %dma_start3A_172 = arith.constant 0 : i32
      %dma_start3A_173 = tpu.memref_slice %arg6[%dma_start3A_164, %dma_start3A_172] : memref<2x1000xi32, #tpu.memory_space<vmem>> -> memref<1x1000xi32, #tpu.memory_space<vmem>>
      %dma_start3A_174 = tpu.memref_squeeze %dma_start3A_173 : memref<1x1000xi32, #tpu.memory_space<vmem>> -> memref<1000xi32, #tpu.memory_space<vmem>>
      %dma_start3A_175 = arith.constant 256 : i32
      %dma_start3A_176 = tpu.memref_slice %dma_start3A_174[%dma_start3A_175] : memref<1000xi32, #tpu.memory_space<vmem>> -> memref<128xi32, #tpu.memory_space<vmem>>
      %dma_start3A_177 = arith.constant 0 : i32
      %dma_start3A_178 = arith.constant 0 : i32
      %dma_start3A_179 = tpu.memref_slice %arg9[%dma_start3A_177, %dma_start3A_178] : memref<10000x16xf32, #tpu.memory_space<vmem_shared>> -> memref<10000x16xf32, #tpu.memory_space<vmem_shared>>
      tpu.enqueue_indirect_dma source(%dma_start3A_171 : memref<128x16xf32, #tpu.memory_space<vmem>>) target(%dma_start3A_179 : memref<10000x16xf32, #tpu.memory_space<vmem_shared>>) offsets(%dma_start3A_176 : memref<128xi32, #tpu.memory_space<vmem>>) semaphore(%arg12 : memref<!tpu.dma_semaphore, #tpu.memory_space<semaphore_mem>>) {add = true}
      %dma_start3A_180 = arith.constant 0 : i32
      %dma_start3A_181 = arith.constant 0 : i32
      %dma_start3A_182 = arith.constant 0 : i32
      %dma_start3A_183 = arith.constant 0 : i32
      %dma_start3A_184 = tpu.memref_slice %arg8[%dma_start3A_180, %dma_start3A_182, %dma_start3A_183] : memref<2x1000x16xf32, #tpu.memory_space<vmem>> -> memref<1x1000x16xf32, #tpu.memory_space<vmem>>
      %dma_start3A_185 = tpu.memref_squeeze %dma_start3A_184 : memref<1x1000x16xf32, #tpu.memory_space<vmem>> -> memref<1000x16xf32, #tpu.memory_space<vmem>>
      %dma_start3A_186 = arith.constant 384 : i32
      %dma_start3A_187 = arith.constant 0 : i32
      %dma_start3A_188 = tpu.memref_slice %dma_start3A_185[%dma_start3A_186, %dma_start3A_187] : memref<1000x16xf32, #tpu.memory_space<vmem>> -> memref<128x16xf32, #tpu.memory_space<vmem>>
      %dma_start3A_189 = arith.constant 0 : i32
      %dma_start3A_190 = tpu.memref_slice %arg6[%dma_start3A_181, %dma_start3A_189] : memref<2x1000xi32, #tpu.memory_space<vmem>> -> memref<1x1000xi32, #tpu.memory_space<vmem>>
      %dma_start3A_191 = tpu.memref_squeeze %dma_start3A_190 : memref<1x1000xi32, #tpu.memory_space<vmem>> -> memref<1000xi32, #tpu.memory_space<vmem>>
      %dma_start3A_192 = arith.constant 384 : i32
      %dma_start3A_193 = tpu.memref_slice %dma_start3A_191[%dma_start3A_192] : memref<1000xi32, #tpu.memory_space<vmem>> -> memref<128xi32, #tpu.memory_space<vmem>>
      %dma_start3A_194 = arith.constant 0 : i32
      %dma_start3A_195 = arith.constant 0 : i32
      %dma_start3A_196 = tpu.memref_slice %arg9[%dma_start3A_194, %dma_start3A_195] : memref<10000x16xf32, #tpu.memory_space<vmem_shared>> -> memref<10000x16xf32, #tpu.memory_space<vmem_shared>>
      tpu.enqueue_indirect_dma source(%dma_start3A_188 : memref<128x16xf32, #tpu.memory_space<vmem>>) target(%dma_start3A_196 : memref<10000x16xf32, #tpu.memory_space<vmem_shared>>) offsets(%dma_start3A_193 : memref<128xi32, #tpu.memory_space<vmem>>) semaphore(%arg12 : memref<!tpu.dma_semaphore, #tpu.memory_space<semaphore_mem>>) {add = true}
      %dma_start3A_197 = arith.constant 0 : i32
      %dma_start3A_198 = arith.constant 0 : i32
      %dma_start3A_199 = arith.constant 0 : i32
      %dma_start3A_200 = arith.constant 0 : i32
      %dma_start3A_201 = tpu.memref_slice %arg8[%dma_start3A_197, %dma_start3A_199, %dma_start3A_200] : memref<2x1000x16xf32, #tpu.memory_space<vmem>> -> memref<1x1000x16xf32, #tpu.memory_space<vmem>>
      %dma_start3A_202 = tpu.memref_squeeze %dma_start3A_201 : memref<1x1000x16xf32, #tpu.memory_space<vmem>> -> memref<1000x16xf32, #tpu.memory_space<vmem>>
      %dma_start3A_203 = arith.constant 512 : i32
      %dma_start3A_204 = arith.constant 0 : i32
      %dma_start3A_205 = tpu.memref_slice %dma_start3A_202[%dma_start3A_203, %dma_start3A_204] : memref<1000x16xf32, #tpu.memory_space<vmem>> -> memref<128x16xf32, #tpu.memory_space<vmem>>
      %dma_start3A_206 = arith.constant 0 : i32
      %dma_start3A_207 = tpu.memref_slice %arg6[%dma_start3A_198, %dma_start3A_206] : memref<2x1000xi32, #tpu.memory_space<vmem>> -> memref<1x1000xi32, #tpu.memory_space<vmem>>
      %dma_start3A_208 = tpu.memref_squeeze %dma_start3A_207 : memref<1x1000xi32, #tpu.memory_space<vmem>> -> memref<1000xi32, #tpu.memory_space<vmem>>
      %dma_start3A_209 = arith.constant 512 : i32
      %dma_start3A_210 = tpu.memref_slice %dma_start3A_208[%dma_start3A_209] : memref<1000xi32, #tpu.memory_space<vmem>> -> memref<128xi32, #tpu.memory_space<vmem>>
      %dma_start3A_211 = arith.constant 0 : i32
      %dma_start3A_212 = arith.constant 0 : i32
      %dma_start3A_213 = tpu.memref_slice %arg9[%dma_start3A_211, %dma_start3A_212] : memref<10000x16xf32, #tpu.memory_space<vmem_shared>> -> memref<10000x16xf32, #tpu.memory_space<vmem_shared>>
      tpu.enqueue_indirect_dma source(%dma_start3A_205 : memref<128x16xf32, #tpu.memory_space<vmem>>) target(%dma_start3A_213 : memref<10000x16xf32, #tpu.memory_space<vmem_shared>>) offsets(%dma_start3A_210 : memref<128xi32, #tpu.memory_space<vmem>>) semaphore(%arg12 : memref<!tpu.dma_semaphore, #tpu.memory_space<semaphore_mem>>) {add = true}
      %dma_start3A_214 = arith.constant 0 : i32
      %dma_start3A_215 = arith.constant 0 : i32
      %dma_start3A_216 = arith.constant 0 : i32
      %dma_start3A_217 = arith.constant 0 : i32
      %dma_start3A_218 = tpu.memref_slice %arg8[%dma_start3A_214, %dma_start3A_216, %dma_start3A_217] : memref<2x1000x16xf32, #tpu.memory_space<vmem>> -> memref<1x1000x16xf32, #tpu.memory_space<vmem>>
      %dma_start3A_219 = tpu.memref_squeeze %dma_start3A_218 : memref<1x1000x16xf32, #tpu.memory_space<vmem>> -> memref<1000x16xf32, #tpu.memory_space<vmem>>
      %dma_start3A_220 = arith.constant 640 : i32
      %dma_start3A_221 = arith.constant 0 : i32
      %dma_start3A_222 = tpu.memref_slice %dma_start3A_219[%dma_start3A_220, %dma_start3A_221] : memref<1000x16xf32, #tpu.memory_space<vmem>> -> memref<128x16xf32, #tpu.memory_space<vmem>>
      %dma_start3A_223 = arith.constant 0 : i32
      %dma_start3A_224 = tpu.memref_slice %arg6[%dma_start3A_215, %dma_start3A_223] : memref<2x1000xi32, #tpu.memory_space<vmem>> -> memref<1x1000xi32, #tpu.memory_space<vmem>>
      %dma_start3A_225 = tpu.memref_squeeze %dma_start3A_224 : memref<1x1000xi32, #tpu.memory_space<vmem>> -> memref<1000xi32, #tpu.memory_space<vmem>>
      %dma_start3A_226 = arith.constant 640 : i32
      %dma_start3A_227 = tpu.memref_slice %dma_start3A_225[%dma_start3A_226] : memref<1000xi32, #tpu.memory_space<vmem>> -> memref<128xi32, #tpu.memory_space<vmem>>
      %dma_start3A_228 = arith.constant 0 : i32
      %dma_start3A_229 = arith.constant 0 : i32
      %dma_start3A_230 = tpu.memref_slice %arg9[%dma_start3A_228, %dma_start3A_229] : memref<10000x16xf32, #tpu.memory_space<vmem_shared>> -> memref<10000x16xf32, #tpu.memory_space<vmem_shared>>
      tpu.enqueue_indirect_dma source(%dma_start3A_222 : memref<128x16xf32, #tpu.memory_space<vmem>>) target(%dma_start3A_230 : memref<10000x16xf32, #tpu.memory_space<vmem_shared>>) offsets(%dma_start3A_227 : memref<128xi32, #tpu.memory_space<vmem>>) semaphore(%arg12 : memref<!tpu.dma_semaphore, #tpu.memory_space<semaphore_mem>>) {add = true}
      %dma_start3A_231 = arith.constant 0 : i32
      %dma_start3A_232 = arith.constant 0 : i32
      %dma_start3A_233 = arith.constant 0 : i32
      %dma_start3A_234 = arith.constant 0 : i32
      %dma_start3A_235 = tpu.memref_slice %arg8[%dma_start3A_231, %dma_start3A_233, %dma_start3A_234] : memref<2x1000x16xf32, #tpu.memory_space<vmem>> -> memref<1x1000x16xf32, #tpu.memory_space<vmem>>
      %dma_start3A_236 = tpu.memref_squeeze %dma_start3A_235 : memref<1x1000x16xf32, #tpu.memory_space<vmem>> -> memref<1000x16xf32, #tpu.memory_space<vmem>>
      %dma_start3A_237 = arith.constant 768 : i32
      %dma_start3A_238 = arith.constant 0 : i32
      %dma_start3A_239 = tpu.memref_slice %dma_start3A_236[%dma_start3A_237, %dma_start3A_238] : memref<1000x16xf32, #tpu.memory_space<vmem>> -> memref<128x16xf32, #tpu.memory_space<vmem>>
      %dma_start3A_240 = arith.constant 0 : i32
      %dma_start3A_241 = tpu.memref_slice %arg6[%dma_start3A_232, %dma_start3A_240] : memref<2x1000xi32, #tpu.memory_space<vmem>> -> memref<1x1000xi32, #tpu.memory_space<vmem>>
      %dma_start3A_242 = tpu.memref_squeeze %dma_start3A_241 : memref<1x1000xi32, #tpu.memory_space<vmem>> -> memref<1000xi32, #tpu.memory_space<vmem>>
      %dma_start3A_243 = arith.constant 768 : i32
      %dma_start3A_244 = tpu.memref_slice %dma_start3A_242[%dma_start3A_243] : memref<1000xi32, #tpu.memory_space<vmem>> -> memref<128xi32, #tpu.memory_space<vmem>>
      %dma_start3A_245 = arith.constant 0 : i32
      %dma_start3A_246 = arith.constant 0 : i32
      %dma_start3A_247 = tpu.memref_slice %arg9[%dma_start3A_245, %dma_start3A_246] : memref<10000x16xf32, #tpu.memory_space<vmem_shared>> -> memref<10000x16xf32, #tpu.memory_space<vmem_shared>>
      tpu.enqueue_indirect_dma source(%dma_start3A_239 : memref<128x16xf32, #tpu.memory_space<vmem>>) target(%dma_start3A_247 : memref<10000x16xf32, #tpu.memory_space<vmem_shared>>) offsets(%dma_start3A_244 : memref<128xi32, #tpu.memory_space<vmem>>) semaphore(%arg12 : memref<!tpu.dma_semaphore, #tpu.memory_space<semaphore_mem>>) {add = true}
      %dma_start3A_248 = arith.constant 0 : i32
      %dma_start3A_249 = arith.constant 0 : i32
      %dma_start3A_250 = arith.constant 0 : i32
      %dma_start3A_251 = arith.constant 0 : i32
      %dma_start3A_252 = tpu.memref_slice %arg8[%dma_start3A_248, %dma_start3A_250, %dma_start3A_251] : memref<2x1000x16xf32, #tpu.memory_space<vmem>> -> memref<1x1000x16xf32, #tpu.memory_space<vmem>>
      %dma_start3A_253 = tpu.memref_squeeze %dma_start3A_252 : memref<1x1000x16xf32, #tpu.memory_space<vmem>> -> memref<1000x16xf32, #tpu.memory_space<vmem>>
      %dma_start3A_254 = arith.constant 896 : i32
      %dma_start3A_255 = arith.constant 0 : i32
      %dma_start3A_256 = tpu.memref_slice %dma_start3A_253[%dma_start3A_254, %dma_start3A_255] : memref<1000x16xf32, #tpu.memory_space<vmem>> -> memref<104x16xf32, #tpu.memory_space<vmem>>
      %dma_start3A_257 = arith.constant 0 : i32
      %dma_start3A_258 = tpu.memref_slice %arg6[%dma_start3A_249, %dma_start3A_257] : memref<2x1000xi32, #tpu.memory_space<vmem>> -> memref<1x1000xi32, #tpu.memory_space<vmem>>
      %dma_start3A_259 = tpu.memref_squeeze %dma_start3A_258 : memref<1x1000xi32, #tpu.memory_space<vmem>> -> memref<1000xi32, #tpu.memory_space<vmem>>
      %dma_start3A_260 = arith.constant 896 : i32
      %dma_start3A_261 = tpu.memref_slice %dma_start3A_259[%dma_start3A_260] : memref<1000xi32, #tpu.memory_space<vmem>> -> memref<104xi32, #tpu.memory_space<vmem>>
      %dma_start3A_262 = arith.constant 0 : i32
      %dma_start3A_263 = arith.constant 0 : i32
      %dma_start3A_264 = tpu.memref_slice %arg9[%dma_start3A_262, %dma_start3A_263] : memref<10000x16xf32, #tpu.memory_space<vmem_shared>> -> memref<10000x16xf32, #tpu.memory_space<vmem_shared>>
      tpu.enqueue_indirect_dma source(%dma_start3A_256 : memref<104x16xf32, #tpu.memory_space<vmem>>) target(%dma_start3A_264 : memref<10000x16xf32, #tpu.memory_space<vmem_shared>>) offsets(%dma_start3A_261 : memref<104xi32, #tpu.memory_space<vmem>>) semaphore(%arg12 : memref<!tpu.dma_semaphore, #tpu.memory_space<semaphore_mem>>) {add = true}
      %dma_wait3A_265 = arith.constant 1 : i32
      %dma_wait3A_266 = arith.constant 0 : i32
      %dma_wait3A_267 = tpu.memref_slice %arg6[%dma_wait3A_265, %dma_wait3A_266] : memref<2x1000xi32, #tpu.memory_space<vmem>> -> memref<1x1000xi32, #tpu.memory_space<vmem>>
      %dma_wait3A_268 = tpu.memref_squeeze %dma_wait3A_267 : memref<1x1000xi32, #tpu.memory_space<vmem>> -> memref<1000xi32, #tpu.memory_space<vmem>>
      %dma_wait3A_269 = arith.constant 0 : i32
      %dma_wait3A_270 = tpu.memref_slice %arg2[%scan3A, %dma_wait3A_269] : memref<2x320000xi32, #tpu.memory_space<hbm>> -> memref<1x320000xi32, #tpu.memory_space<hbm>>
      %dma_wait3A_271 = tpu.memref_squeeze %dma_wait3A_270 : memref<1x320000xi32, #tpu.memory_space<hbm>> -> memref<320000xi32, #tpu.memory_space<hbm>>
      %dma_wait3A_272 = arith.constant 0 : i32
      %dma_wait3A_273 = tpu.memref_slice %dma_wait3A_271[%dma_wait3A_272] : memref<320000xi32, #tpu.memory_space<hbm>> -> memref<1000xi32, #tpu.memory_space<hbm>>
      %dma_wait3A_274 = arith.constant 0 : i32
      %dma_wait3A_275 = tpu.memref_slice %arg6[%dma_wait3A_265, %dma_wait3A_274] : memref<2x1000xi32, #tpu.memory_space<vmem>> -> memref<1x1000xi32, #tpu.memory_space<vmem>>
      %dma_wait3A_276 = tpu.memref_squeeze %dma_wait3A_275 : memref<1x1000xi32, #tpu.memory_space<vmem>> -> memref<1000xi32, #tpu.memory_space<vmem>>
      %dma_wait3A_277 = arith.constant 0 : i32
      %dma_wait3A_278 = tpu.memref_slice %arg2[%scan3A, %dma_wait3A_277] : memref<2x320000xi32, #tpu.memory_space<hbm>> -> memref<1x320000xi32, #tpu.memory_space<hbm>>
      %dma_wait3A_279 = tpu.memref_squeeze %dma_wait3A_278 : memref<1x320000xi32, #tpu.memory_space<hbm>> -> memref<320000xi32, #tpu.memory_space<hbm>>
      %dma_wait3A_280 = arith.constant 0 : i32
      %dma_wait3A_281 = tpu.memref_slice %dma_wait3A_279[%dma_wait3A_280] : memref<320000xi32, #tpu.memory_space<hbm>> -> memref<1000xi32, #tpu.memory_space<hbm>>
      tpu.wait_dma2 semaphore(%arg11 : memref<!tpu.dma_semaphore, #tpu.memory_space<semaphore_mem>>) src(%dma_wait3A_281 : memref<1000xi32, #tpu.memory_space<hbm>>) dst(%dma_wait3A_276 : memref<1000xi32, #tpu.memory_space<vmem>>)
      %dma_wait3A_282 = arith.constant 1 : i32
      %dma_wait3A_283 = arith.constant 0 : i32
      %dma_wait3A_284 = arith.constant 0 : i32
      %dma_wait3A_285 = tpu.memref_slice %arg7[%dma_wait3A_282, %dma_wait3A_283, %dma_wait3A_284] : memref<2x16x1000xf32, #tpu.memory_space<vmem>> -> memref<1x16x1000xf32, #tpu.memory_space<vmem>>
      %dma_wait3A_286 = tpu.memref_squeeze %dma_wait3A_285 : memref<1x16x1000xf32, #tpu.memory_space<vmem>> -> memref<16x1000xf32, #tpu.memory_space<vmem>>
      %dma_wait3A_287 = arith.constant 0 : i32
      %dma_wait3A_288 = arith.constant 0 : i32
      %dma_wait3A_289 = tpu.memref_slice %arg3[%dma_wait3A_287, %dma_wait3A_288] : memref<16x320000xf32, #tpu.memory_space<hbm>> -> memref<16x1000xf32, #tpu.memory_space<hbm>>
      %dma_wait3A_290 = arith.constant 0 : i32
      %dma_wait3A_291 = arith.constant 0 : i32
      %dma_wait3A_292 = tpu.memref_slice %arg7[%dma_wait3A_282, %dma_wait3A_290, %dma_wait3A_291] : memref<2x16x1000xf32, #tpu.memory_space<vmem>> -> memref<1x16x1000xf32, #tpu.memory_space<vmem>>
      %dma_wait3A_293 = tpu.memref_squeeze %dma_wait3A_292 : memref<1x16x1000xf32, #tpu.memory_space<vmem>> -> memref<16x1000xf32, #tpu.memory_space<vmem>>
      %dma_wait3A_294 = arith.constant 0 : i32
      %dma_wait3A_295 = arith.constant 0 : i32
      %dma_wait3A_296 = tpu.memref_slice %arg3[%dma_wait3A_294, %dma_wait3A_295] : memref<16x320000xf32, #tpu.memory_space<hbm>> -> memref<16x1000xf32, #tpu.memory_space<hbm>>
      tpu.wait_dma2 semaphore(%arg11 : memref<!tpu.dma_semaphore, #tpu.memory_space<semaphore_mem>>) src(%dma_wait3A_296 : memref<16x1000xf32, #tpu.memory_space<hbm>>) dst(%dma_wait3A_293 : memref<16x1000xf32, #tpu.memory_space<vmem>>)
      %parallel_loop3A_297 = arith.constant 0 : i32
      %parallel_loop3A_298 = arith.constant 1000 : i32
      %parallel_loop3A_299 = arith.constant 1 : i32
      %parallel_loop3A_300 = arith.constant 1 : i32
      %parallel_loop3A_301 = arith.constant 1 : i32
      scf.for %parallel_loop3A_723 = %parallel_loop3A_297 to %parallel_loop3A_298 step %parallel_loop3A_299  : i32 {
        %parallel_loop3A_724 = vector.broadcast %parallel_loop3A_723 : i32 to vector<16xi32>
        %parallel_loop3A_725 = arith.constant 0 : i32
        %parallel_loop3A_726 = arith.constant 0 : i32
        %parallel_loop3A_727 = tpu.memref_slice %arg7[%parallel_loop3A_300, %parallel_loop3A_725, %parallel_loop3A_726] : memref<2x16x1000xf32, #tpu.memory_space<vmem>> -> memref<1x16x1000xf32, #tpu.memory_space<vmem>>
        %parallel_loop3A_728 = tpu.memref_squeeze %parallel_loop3A_727 : memref<1x16x1000xf32, #tpu.memory_space<vmem>> -> memref<16x1000xf32, #tpu.memory_space<vmem>>
        %parallel_loop3A_729 = tpu.vector_load_idx %parallel_loop3A_728[%iota3A, %parallel_loop3A_724] : memref<16x1000xf32, #tpu.memory_space<vmem>>[vector<16xi32>, vector<16xi32>], vector<16xf32>,
        %parallel_loop3A_730 = arith.constant 0 : i32
        %parallel_loop3A_731 = arith.constant 0 : i32
        %parallel_loop3A_732 = tpu.memref_slice %arg8[%parallel_loop3A_301, %parallel_loop3A_730, %parallel_loop3A_731] : memref<2x1000x16xf32, #tpu.memory_space<vmem>> -> memref<1x1000x16xf32, #tpu.memory_space<vmem>>
        %parallel_loop3A_733 = tpu.memref_squeeze %parallel_loop3A_732 : memref<1x1000x16xf32, #tpu.memory_space<vmem>> -> memref<1000x16xf32, #tpu.memory_space<vmem>>
        %parallel_loop3A_734 = arith.index_cast %parallel_loop3A_723 : i32 to index
        %parallel_loop3A_735 = arith.constant 0 : index
        %parallel_loop3A_736 = tpu.vector_load %parallel_loop3A_733[%parallel_loop3A_734, %parallel_loop3A_735] {strides = array<i32>} : memref<1000x16xf32, #tpu.memory_space<vmem>>, vector<16xf32>,
        tpu.vector_store %parallel_loop3A_733[%parallel_loop3A_734, %parallel_loop3A_735], %parallel_loop3A_729 {strides = array<i32>} : memref<1000x16xf32, #tpu.memory_space<vmem>>, vector<16xf32>,
      } {sc.loop_unroll_factor = 8 : i64, sc.parallel_access}
      %dma_wait3A_302 = arith.constant 0 : i32
      %dma_wait3A_303 = arith.constant 0 : i32
      %dma_wait3A_304 = arith.constant 0 : i32
      %dma_wait3A_305 = arith.constant 0 : i32
      %dma_wait3A_306 = tpu.memref_slice %arg8[%dma_wait3A_302, %dma_wait3A_304, %dma_wait3A_305] : memref<2x1000x16xf32, #tpu.memory_space<vmem>> -> memref<1x1000x16xf32, #tpu.memory_space<vmem>>
      %dma_wait3A_307 = tpu.memref_squeeze %dma_wait3A_306 : memref<1x1000x16xf32, #tpu.memory_space<vmem>> -> memref<1000x16xf32, #tpu.memory_space<vmem>>
      %dma_wait3A_308 = arith.constant 0 : i32
      %dma_wait3A_309 = arith.constant 0 : i32
      %dma_wait3A_310 = tpu.memref_slice %dma_wait3A_307[%dma_wait3A_308, %dma_wait3A_309] : memref<1000x16xf32, #tpu.memory_space<vmem>> -> memref<128x16xf32, #tpu.memory_space<vmem>>
      %dma_wait3A_311 = arith.constant 0 : i32
      %dma_wait3A_312 = tpu.memref_slice %arg6[%dma_wait3A_303, %dma_wait3A_311] : memref<2x1000xi32, #tpu.memory_space<vmem>> -> memref<1x1000xi32, #tpu.memory_space<vmem>>
      %dma_wait3A_313 = tpu.memref_squeeze %dma_wait3A_312 : memref<1x1000xi32, #tpu.memory_space<vmem>> -> memref<1000xi32, #tpu.memory_space<vmem>>
      %dma_wait3A_314 = arith.constant 0 : i32
      %dma_wait3A_315 = tpu.memref_slice %dma_wait3A_313[%dma_wait3A_314] : memref<1000xi32, #tpu.memory_space<vmem>> -> memref<128xi32, #tpu.memory_space<vmem>>
      %dma_wait3A_316 = arith.constant 0 : i32
      %dma_wait3A_317 = arith.constant 0 : i32
      %dma_wait3A_318 = tpu.memref_slice %arg9[%dma_wait3A_316, %dma_wait3A_317] : memref<10000x16xf32, #tpu.memory_space<vmem_shared>> -> memref<10000x16xf32, #tpu.memory_space<vmem_shared>>
      tpu.wait_indirect_dma semaphore(%arg12 : memref<!tpu.dma_semaphore, #tpu.memory_space<semaphore_mem>>) src(%dma_wait3A_310 : memref<128x16xf32, #tpu.memory_space<vmem>>) dst(%dma_wait3A_318 : memref<10000x16xf32, #tpu.memory_space<vmem_shared>>)
      %dma_wait3A_319 = arith.constant 0 : i32
      %dma_wait3A_320 = arith.constant 0 : i32
      %dma_wait3A_321 = arith.constant 0 : i32
      %dma_wait3A_322 = arith.constant 0 : i32
      %dma_wait3A_323 = tpu.memref_slice %arg8[%dma_wait3A_319, %dma_wait3A_321, %dma_wait3A_322] : memref<2x1000x16xf32, #tpu.memory_space<vmem>> -> memref<1x1000x16xf32, #tpu.memory_space<vmem>>
      %dma_wait3A_324 = tpu.memref_squeeze %dma_wait3A_323 : memref<1x1000x16xf32, #tpu.memory_space<vmem>> -> memref<1000x16xf32, #tpu.memory_space<vmem>>
      %dma_wait3A_325 = arith.constant 128 : i32
      %dma_wait3A_326 = arith.constant 0 : i32
      %dma_wait3A_327 = tpu.memref_slice %dma_wait3A_324[%dma_wait3A_325, %dma_wait3A_326] : memref<1000x16xf32, #tpu.memory_space<vmem>> -> memref<128x16xf32, #tpu.memory_space<vmem>>
      %dma_wait3A_328 = arith.constant 0 : i32
      %dma_wait3A_329 = tpu.memref_slice %arg6[%dma_wait3A_320, %dma_wait3A_328] : memref<2x1000xi32, #tpu.memory_space<vmem>> -> memref<1x1000xi32, #tpu.memory_space<vmem>>
      %dma_wait3A_330 = tpu.memref_squeeze %dma_wait3A_329 : memref<1x1000xi32, #tpu.memory_space<vmem>> -> memref<1000xi32, #tpu.memory_space<vmem>>
      %dma_wait3A_331 = arith.constant 128 : i32
      %dma_wait3A_332 = tpu.memref_slice %dma_wait3A_330[%dma_wait3A_331] : memref<1000xi32, #tpu.memory_space<vmem>> -> memref<128xi32, #tpu.memory_space<vmem>>
      %dma_wait3A_333 = arith.constant 0 : i32
      %dma_wait3A_334 = arith.constant 0 : i32
      %dma_wait3A_335 = tpu.memref_slice %arg9[%dma_wait3A_333, %dma_wait3A_334] : memref<10000x16xf32, #tpu.memory_space<vmem_shared>> -> memref<10000x16xf32, #tpu.memory_space<vmem_shared>>
      tpu.wait_indirect_dma semaphore(%arg12 : memref<!tpu.dma_semaphore, #tpu.memory_space<semaphore_mem>>) src(%dma_wait3A_327 : memref<128x16xf32, #tpu.memory_space<vmem>>) dst(%dma_wait3A_335 : memref<10000x16xf32, #tpu.memory_space<vmem_shared>>)
      %dma_wait3A_336 = arith.constant 0 : i32
      %dma_wait3A_337 = arith.constant 0 : i32
      %dma_wait3A_338 = arith.constant 0 : i32
      %dma_wait3A_339 = arith.constant 0 : i32
      %dma_wait3A_340 = tpu.memref_slice %arg8[%dma_wait3A_336, %dma_wait3A_338, %dma_wait3A_339] : memref<2x1000x16xf32, #tpu.memory_space<vmem>> -> memref<1x1000x16xf32, #tpu.memory_space<vmem>>
      %dma_wait3A_341 = tpu.memref_squeeze %dma_wait3A_340 : memref<1x1000x16xf32, #tpu.memory_space<vmem>> -> memref<1000x16xf32, #tpu.memory_space<vmem>>
      %dma_wait3A_342 = arith.constant 256 : i32
      %dma_wait3A_343 = arith.constant 0 : i32
      %dma_wait3A_344 = tpu.memref_slice %dma_wait3A_341[%dma_wait3A_342, %dma_wait3A_343] : memref<1000x16xf32, #tpu.memory_space<vmem>> -> memref<128x16xf32, #tpu.memory_space<vmem>>
      %dma_wait3A_345 = arith.constant 0 : i32
      %dma_wait3A_346 = tpu.memref_slice %arg6[%dma_wait3A_337, %dma_wait3A_345] : memref<2x1000xi32, #tpu.memory_space<vmem>> -> memref<1x1000xi32, #tpu.memory_space<vmem>>
      %dma_wait3A_347 = tpu.memref_squeeze %dma_wait3A_346 : memref<1x1000xi32, #tpu.memory_space<vmem>> -> memref<1000xi32, #tpu.memory_space<vmem>>
      %dma_wait3A_348 = arith.constant 256 : i32
      %dma_wait3A_349 = tpu.memref_slice %dma_wait3A_347[%dma_wait3A_348] : memref<1000xi32, #tpu.memory_space<vmem>> -> memref<128xi32, #tpu.memory_space<vmem>>
      %dma_wait3A_350 = arith.constant 0 : i32
      %dma_wait3A_351 = arith.constant 0 : i32
      %dma_wait3A_352 = tpu.memref_slice %arg9[%dma_wait3A_350, %dma_wait3A_351] : memref<10000x16xf32, #tpu.memory_space<vmem_shared>> -> memref<10000x16xf32, #tpu.memory_space<vmem_shared>>
      tpu.wait_indirect_dma semaphore(%arg12 : memref<!tpu.dma_semaphore, #tpu.memory_space<semaphore_mem>>) src(%dma_wait3A_344 : memref<128x16xf32, #tpu.memory_space<vmem>>) dst(%dma_wait3A_352 : memref<10000x16xf32, #tpu.memory_space<vmem_shared>>)
      %dma_wait3A_353 = arith.constant 0 : i32
      %dma_wait3A_354 = arith.constant 0 : i32
      %dma_wait3A_355 = arith.constant 0 : i32
      %dma_wait3A_356 = arith.constant 0 : i32
      %dma_wait3A_357 = tpu.memref_slice %arg8[%dma_wait3A_353, %dma_wait3A_355, %dma_wait3A_356] : memref<2x1000x16xf32, #tpu.memory_space<vmem>> -> memref<1x1000x16xf32, #tpu.memory_space<vmem>>
      %dma_wait3A_358 = tpu.memref_squeeze %dma_wait3A_357 : memref<1x1000x16xf32, #tpu.memory_space<vmem>> -> memref<1000x16xf32, #tpu.memory_space<vmem>>
      %dma_wait3A_359 = arith.constant 384 : i32
      %dma_wait3A_360 = arith.constant 0 : i32
      %dma_wait3A_361 = tpu.memref_slice %dma_wait3A_358[%dma_wait3A_359, %dma_wait3A_360] : memref<1000x16xf32, #tpu.memory_space<vmem>> -> memref<128x16xf32, #tpu.memory_space<vmem>>
      %dma_wait3A_362 = arith.constant 0 : i32
      %dma_wait3A_363 = tpu.memref_slice %arg6[%dma_wait3A_354, %dma_wait3A_362] : memref<2x1000xi32, #tpu.memory_space<vmem>> -> memref<1x1000xi32, #tpu.memory_space<vmem>>
      %dma_wait3A_364 = tpu.memref_squeeze %dma_wait3A_363 : memref<1x1000xi32, #tpu.memory_space<vmem>> -> memref<1000xi32, #tpu.memory_space<vmem>>
      %dma_wait3A_365 = arith.constant 384 : i32
      %dma_wait3A_366 = tpu.memref_slice %dma_wait3A_364[%dma_wait3A_365] : memref<1000xi32, #tpu.memory_space<vmem>> -> memref<128xi32, #tpu.memory_space<vmem>>
      %dma_wait3A_367 = arith.constant 0 : i32
      %dma_wait3A_368 = arith.constant 0 : i32
      %dma_wait3A_369 = tpu.memref_slice %arg9[%dma_wait3A_367, %dma_wait3A_368] : memref<10000x16xf32, #tpu.memory_space<vmem_shared>> -> memref<10000x16xf32, #tpu.memory_space<vmem_shared>>
      tpu.wait_indirect_dma semaphore(%arg12 : memref<!tpu.dma_semaphore, #tpu.memory_space<semaphore_mem>>) src(%dma_wait3A_361 : memref<128x16xf32, #tpu.memory_space<vmem>>) dst(%dma_wait3A_369 : memref<10000x16xf32, #tpu.memory_space<vmem_shared>>)
      %dma_wait3A_370 = arith.constant 0 : i32
      %dma_wait3A_371 = arith.constant 0 : i32
      %dma_wait3A_372 = arith.constant 0 : i32
      %dma_wait3A_373 = arith.constant 0 : i32
      %dma_wait3A_374 = tpu.memref_slice %arg8[%dma_wait3A_370, %dma_wait3A_372, %dma_wait3A_373] : memref<2x1000x16xf32, #tpu.memory_space<vmem>> -> memref<1x1000x16xf32, #tpu.memory_space<vmem>>
      %dma_wait3A_375 = tpu.memref_squeeze %dma_wait3A_374 : memref<1x1000x16xf32, #tpu.memory_space<vmem>> -> memref<1000x16xf32, #tpu.memory_space<vmem>>
      %dma_wait3A_376 = arith.constant 512 : i32
      %dma_wait3A_377 = arith.constant 0 : i32
      %dma_wait3A_378 = tpu.memref_slice %dma_wait3A_375[%dma_wait3A_376, %dma_wait3A_377] : memref<1000x16xf32, #tpu.memory_space<vmem>> -> memref<128x16xf32, #tpu.memory_space<vmem>>
      %dma_wait3A_379 = arith.constant 0 : i32
      %dma_wait3A_380 = tpu.memref_slice %arg6[%dma_wait3A_371, %dma_wait3A_379] : memref<2x1000xi32, #tpu.memory_space<vmem>> -> memref<1x1000xi32, #tpu.memory_space<vmem>>
      %dma_wait3A_381 = tpu.memref_squeeze %dma_wait3A_380 : memref<1x1000xi32, #tpu.memory_space<vmem>> -> memref<1000xi32, #tpu.memory_space<vmem>>
      %dma_wait3A_382 = arith.constant 512 : i32
      %dma_wait3A_383 = tpu.memref_slice %dma_wait3A_381[%dma_wait3A_382] : memref<1000xi32, #tpu.memory_space<vmem>> -> memref<128xi32, #tpu.memory_space<vmem>>
      %dma_wait3A_384 = arith.constant 0 : i32
      %dma_wait3A_385 = arith.constant 0 : i32
      %dma_wait3A_386 = tpu.memref_slice %arg9[%dma_wait3A_384, %dma_wait3A_385] : memref<10000x16xf32, #tpu.memory_space<vmem_shared>> -> memref<10000x16xf32, #tpu.memory_space<vmem_shared>>
      tpu.wait_indirect_dma semaphore(%arg12 : memref<!tpu.dma_semaphore, #tpu.memory_space<semaphore_mem>>) src(%dma_wait3A_378 : memref<128x16xf32, #tpu.memory_space<vmem>>) dst(%dma_wait3A_386 : memref<10000x16xf32, #tpu.memory_space<vmem_shared>>)
      %dma_wait3A_387 = arith.constant 0 : i32
      %dma_wait3A_388 = arith.constant 0 : i32
      %dma_wait3A_389 = arith.constant 0 : i32
      %dma_wait3A_390 = arith.constant 0 : i32
      %dma_wait3A_391 = tpu.memref_slice %arg8[%dma_wait3A_387, %dma_wait3A_389, %dma_wait3A_390] : memref<2x1000x16xf32, #tpu.memory_space<vmem>> -> memref<1x1000x16xf32, #tpu.memory_space<vmem>>
      %dma_wait3A_392 = tpu.memref_squeeze %dma_wait3A_391 : memref<1x1000x16xf32, #tpu.memory_space<vmem>> -> memref<1000x16xf32, #tpu.memory_space<vmem>>
      %dma_wait3A_393 = arith.constant 640 : i32
      %dma_wait3A_394 = arith.constant 0 : i32
      %dma_wait3A_395 = tpu.memref_slice %dma_wait3A_392[%dma_wait3A_393, %dma_wait3A_394] : memref<1000x16xf32, #tpu.memory_space<vmem>> -> memref<128x16xf32, #tpu.memory_space<vmem>>
      %dma_wait3A_396 = arith.constant 0 : i32
      %dma_wait3A_397 = tpu.memref_slice %arg6[%dma_wait3A_388, %dma_wait3A_396] : memref<2x1000xi32, #tpu.memory_space<vmem>> -> memref<1x1000xi32, #tpu.memory_space<vmem>>
      %dma_wait3A_398 = tpu.memref_squeeze %dma_wait3A_397 : memref<1x1000xi32, #tpu.memory_space<vmem>> -> memref<1000xi32, #tpu.memory_space<vmem>>
      %dma_wait3A_399 = arith.constant 640 : i32
      %dma_wait3A_400 = tpu.memref_slice %dma_wait3A_398[%dma_wait3A_399] : memref<1000xi32, #tpu.memory_space<vmem>> -> memref<128xi32, #tpu.memory_space<vmem>>
      %dma_wait3A_401 = arith.constant 0 : i32
      %dma_wait3A_402 = arith.constant 0 : i32
      %dma_wait3A_403 = tpu.memref_slice %arg9[%dma_wait3A_401, %dma_wait3A_402] : memref<10000x16xf32, #tpu.memory_space<vmem_shared>> -> memref<10000x16xf32, #tpu.memory_space<vmem_shared>>
      tpu.wait_indirect_dma semaphore(%arg12 : memref<!tpu.dma_semaphore, #tpu.memory_space<semaphore_mem>>) src(%dma_wait3A_395 : memref<128x16xf32, #tpu.memory_space<vmem>>) dst(%dma_wait3A_403 : memref<10000x16xf32, #tpu.memory_space<vmem_shared>>)
      %dma_wait3A_404 = arith.constant 0 : i32
      %dma_wait3A_405 = arith.constant 0 : i32
      %dma_wait3A_406 = arith.constant 0 : i32
      %dma_wait3A_407 = arith.constant 0 : i32
      %dma_wait3A_408 = tpu.memref_slice %arg8[%dma_wait3A_404, %dma_wait3A_406, %dma_wait3A_407] : memref<2x1000x16xf32, #tpu.memory_space<vmem>> -> memref<1x1000x16xf32, #tpu.memory_space<vmem>>
      %dma_wait3A_409 = tpu.memref_squeeze %dma_wait3A_408 : memref<1x1000x16xf32, #tpu.memory_space<vmem>> -> memref<1000x16xf32, #tpu.memory_space<vmem>>
      %dma_wait3A_410 = arith.constant 768 : i32
      %dma_wait3A_411 = arith.constant 0 : i32
      %dma_wait3A_412 = tpu.memref_slice %dma_wait3A_409[%dma_wait3A_410, %dma_wait3A_411] : memref<1000x16xf32, #tpu.memory_space<vmem>> -> memref<128x16xf32, #tpu.memory_space<vmem>>
      %dma_wait3A_413 = arith.constant 0 : i32
      %dma_wait3A_414 = tpu.memref_slice %arg6[%dma_wait3A_405, %dma_wait3A_413] : memref<2x1000xi32, #tpu.memory_space<vmem>> -> memref<1x1000xi32, #tpu.memory_space<vmem>>
      %dma_wait3A_415 = tpu.memref_squeeze %dma_wait3A_414 : memref<1x1000xi32, #tpu.memory_space<vmem>> -> memref<1000xi32, #tpu.memory_space<vmem>>
      %dma_wait3A_416 = arith.constant 768 : i32
      %dma_wait3A_417 = tpu.memref_slice %dma_wait3A_415[%dma_wait3A_416] : memref<1000xi32, #tpu.memory_space<vmem>> -> memref<128xi32, #tpu.memory_space<vmem>>
      %dma_wait3A_418 = arith.constant 0 : i32
      %dma_wait3A_419 = arith.constant 0 : i32
      %dma_wait3A_420 = tpu.memref_slice %arg9[%dma_wait3A_418, %dma_wait3A_419] : memref<10000x16xf32, #tpu.memory_space<vmem_shared>> -> memref<10000x16xf32, #tpu.memory_space<vmem_shared>>
      tpu.wait_indirect_dma semaphore(%arg12 : memref<!tpu.dma_semaphore, #tpu.memory_space<semaphore_mem>>) src(%dma_wait3A_412 : memref<128x16xf32, #tpu.memory_space<vmem>>) dst(%dma_wait3A_420 : memref<10000x16xf32, #tpu.memory_space<vmem_shared>>)
      %dma_wait3A_421 = arith.constant 0 : i32
      %dma_wait3A_422 = arith.constant 0 : i32
      %dma_wait3A_423 = arith.constant 0 : i32
      %dma_wait3A_424 = arith.constant 0 : i32
      %dma_wait3A_425 = tpu.memref_slice %arg8[%dma_wait3A_421, %dma_wait3A_423, %dma_wait3A_424] : memref<2x1000x16xf32, #tpu.memory_space<vmem>> -> memref<1x1000x16xf32, #tpu.memory_space<vmem>>
      %dma_wait3A_426 = tpu.memref_squeeze %dma_wait3A_425 : memref<1x1000x16xf32, #tpu.memory_space<vmem>> -> memref<1000x16xf32, #tpu.memory_space<vmem>>
      %dma_wait3A_427 = arith.constant 896 : i32
      %dma_wait3A_428 = arith.constant 0 : i32
      %dma_wait3A_429 = tpu.memref_slice %dma_wait3A_426[%dma_wait3A_427, %dma_wait3A_428] : memref<1000x16xf32, #tpu.memory_space<vmem>> -> memref<104x16xf32, #tpu.memory_space<vmem>>
      %dma_wait3A_430 = arith.constant 0 : i32
      %dma_wait3A_431 = tpu.memref_slice %arg6[%dma_wait3A_422, %dma_wait3A_430] : memref<2x1000xi32, #tpu.memory_space<vmem>> -> memref<1x1000xi32, #tpu.memory_space<vmem>>
      %dma_wait3A_432 = tpu.memref_squeeze %dma_wait3A_431 : memref<1x1000xi32, #tpu.memory_space<vmem>> -> memref<1000xi32, #tpu.memory_space<vmem>>
      %dma_wait3A_433 = arith.constant 896 : i32
      %dma_wait3A_434 = tpu.memref_slice %dma_wait3A_432[%dma_wait3A_433] : memref<1000xi32, #tpu.memory_space<vmem>> -> memref<104xi32, #tpu.memory_space<vmem>>
      %dma_wait3A_435 = arith.constant 0 : i32
      %dma_wait3A_436 = arith.constant 0 : i32
      %dma_wait3A_437 = tpu.memref_slice %arg9[%dma_wait3A_435, %dma_wait3A_436] : memref<10000x16xf32, #tpu.memory_space<vmem_shared>> -> memref<10000x16xf32, #tpu.memory_space<vmem_shared>>
      tpu.wait_indirect_dma semaphore(%arg12 : memref<!tpu.dma_semaphore, #tpu.memory_space<semaphore_mem>>) src(%dma_wait3A_429 : memref<104x16xf32, #tpu.memory_space<vmem>>) dst(%dma_wait3A_437 : memref<10000x16xf32, #tpu.memory_space<vmem_shared>>)
      %add3A_438 = arith.constant 2 : i32
      %add3A_439 = arith.addi %add3A_93, %add3A_438 : i32
      %lt3A = arith.constant 10 : i32
      %lt3A_440 = arith.cmpi slt, %add3A_439, %lt3A : i32
      %convert_element_type3A_441 = arith.extui %lt3A_440 : i1 to i32
      %cond3A_442 = arith.constant 0 : i32
      %cond3A_443 = arith.cmpi ne, %convert_element_type3A_441, %cond3A_442 : i32
      scf.if %cond3A_443 {
        %add3A_723 = arith.constant 2 : i32
        %add3A_724 = arith.addi %add3A_93, %add3A_723 : i32
        %mul3A_725 = arith.constant 1000 : i32
        %mul3A_726 = arith.muli %add3A_724, %mul3A_725 : i32
        %add3A_727 = arith.addi %mul3A_2, %mul3A_726 : i32
        %dma_start3A_728 = arith.constant 0 : i32
        %dma_start3A_729 = arith.constant 0 : i32
        %dma_start3A_730 = tpu.memref_slice %arg6[%dma_start3A_728, %dma_start3A_729] : memref<2x1000xi32, #tpu.memory_space<vmem>> -> memref<1x1000xi32, #tpu.memory_space<vmem>>
        %dma_start3A_731 = tpu.memref_squeeze %dma_start3A_730 : memref<1x1000xi32, #tpu.memory_space<vmem>> -> memref<1000xi32, #tpu.memory_space<vmem>>
        %dma_start3A_732 = arith.constant 0 : i32
        %dma_start3A_733 = tpu.memref_slice %arg2[%scan3A, %dma_start3A_732] : memref<2x320000xi32, #tpu.memory_space<hbm>> -> memref<1x320000xi32, #tpu.memory_space<hbm>>
        %dma_start3A_734 = tpu.memref_squeeze %dma_start3A_733 : memref<1x320000xi32, #tpu.memory_space<hbm>> -> memref<320000xi32, #tpu.memory_space<hbm>>
        %dma_start3A_735 = tpu.memref_slice %dma_start3A_734[%add3A_727] : memref<320000xi32, #tpu.memory_space<hbm>> -> memref<1000xi32, #tpu.memory_space<hbm>>
        %dma_start3A_736 = arith.constant 0 : i32
        %dma_start3A_737 = tpu.memref_slice %arg6[%dma_start3A_728, %dma_start3A_736] : memref<2x1000xi32, #tpu.memory_space<vmem>> -> memref<1x1000xi32, #tpu.memory_space<vmem>>
        %dma_start3A_738 = tpu.memref_squeeze %dma_start3A_737 : memref<1x1000xi32, #tpu.memory_space<vmem>> -> memref<1000xi32, #tpu.memory_space<vmem>>
        %dma_start3A_739 = arith.constant 0 : i32
        %dma_start3A_740 = tpu.memref_slice %arg2[%scan3A, %dma_start3A_739] : memref<2x320000xi32, #tpu.memory_space<hbm>> -> memref<1x320000xi32, #tpu.memory_space<hbm>>
        %dma_start3A_741 = tpu.memref_squeeze %dma_start3A_740 : memref<1x320000xi32, #tpu.memory_space<hbm>> -> memref<320000xi32, #tpu.memory_space<hbm>>
        %dma_start3A_742 = tpu.memref_slice %dma_start3A_741[%add3A_727] : memref<320000xi32, #tpu.memory_space<hbm>> -> memref<1000xi32, #tpu.memory_space<hbm>>
        tpu.enqueue_dma source(%dma_start3A_742 : memref<1000xi32, #tpu.memory_space<hbm>>) target(%dma_start3A_738 : memref<1000xi32, #tpu.memory_space<vmem>>) target_semaphore(%arg10 : memref<!tpu.dma_semaphore, #tpu.memory_space<semaphore_mem>>)
        %mul3A_743 = arith.constant 1000 : i32
        %mul3A_744 = arith.muli %add3A_724, %mul3A_743 : i32
        %add3A_745 = arith.addi %mul3A_2, %mul3A_744 : i32
        %dma_start3A_746 = arith.constant 0 : i32
        %dma_start3A_747 = arith.constant 0 : i32
        %dma_start3A_748 = arith.constant 0 : i32
        %dma_start3A_749 = tpu.memref_slice %arg7[%dma_start3A_746, %dma_start3A_747, %dma_start3A_748] : memref<2x16x1000xf32, #tpu.memory_space<vmem>> -> memref<1x16x1000xf32, #tpu.memory_space<vmem>>
        %dma_start3A_750 = tpu.memref_squeeze %dma_start3A_749 : memref<1x16x1000xf32, #tpu.memory_space<vmem>> -> memref<16x1000xf32, #tpu.memory_space<vmem>>
        %dma_start3A_751 = arith.constant 0 : i32
        %dma_start3A_752 = tpu.memref_slice %arg3[%dma_start3A_751, %add3A_745] : memref<16x320000xf32, #tpu.memory_space<hbm>> -> memref<16x1000xf32, #tpu.memory_space<hbm>>
        %dma_start3A_753 = arith.constant 0 : i32
        %dma_start3A_754 = arith.constant 0 : i32
        %dma_start3A_755 = tpu.memref_slice %arg7[%dma_start3A_746, %dma_start3A_753, %dma_start3A_754] : memref<2x16x1000xf32, #tpu.memory_space<vmem>> -> memref<1x16x1000xf32, #tpu.memory_space<vmem>>
        %dma_start3A_756 = tpu.memref_squeeze %dma_start3A_755 : memref<1x16x1000xf32, #tpu.memory_space<vmem>> -> memref<16x1000xf32, #tpu.memory_space<vmem>>
        %dma_start3A_757 = arith.constant 0 : i32
        %dma_start3A_758 = tpu.memref_slice %arg3[%dma_start3A_757, %add3A_745] : memref<16x320000xf32, #tpu.memory_space<hbm>> -> memref<16x1000xf32, #tpu.memory_space<hbm>>
        tpu.enqueue_dma source(%dma_start3A_758 : memref<16x1000xf32, #tpu.memory_space<hbm>>) target(%dma_start3A_756 : memref<16x1000xf32, #tpu.memory_space<vmem>>) target_semaphore(%arg10 : memref<!tpu.dma_semaphore, #tpu.memory_space<semaphore_mem>>)
      } else {
      }
      %dma_start3A_444 = arith.constant 1 : i32
      %dma_start3A_445 = arith.constant 1 : i32
      %dma_start3A_446 = arith.constant 0 : i32
      %dma_start3A_447 = arith.constant 0 : i32
      %dma_start3A_448 = tpu.memref_slice %arg8[%dma_start3A_444, %dma_start3A_446, %dma_start3A_447] : memref<2x1000x16xf32, #tpu.memory_space<vmem>> -> memref<1x1000x16xf32, #tpu.memory_space<vmem>>
      %dma_start3A_449 = tpu.memref_squeeze %dma_start3A_448 : memref<1x1000x16xf32, #tpu.memory_space<vmem>> -> memref<1000x16xf32, #tpu.memory_space<vmem>>
      %dma_start3A_450 = arith.constant 0 : i32
      %dma_start3A_451 = arith.constant 0 : i32
      %dma_start3A_452 = tpu.memref_slice %dma_start3A_449[%dma_start3A_450, %dma_start3A_451] : memref<1000x16xf32, #tpu.memory_space<vmem>> -> memref<128x16xf32, #tpu.memory_space<vmem>>
      %dma_start3A_453 = arith.constant 0 : i32
      %dma_start3A_454 = tpu.memref_slice %arg6[%dma_start3A_445, %dma_start3A_453] : memref<2x1000xi32, #tpu.memory_space<vmem>> -> memref<1x1000xi32, #tpu.memory_space<vmem>>
      %dma_start3A_455 = tpu.memref_squeeze %dma_start3A_454 : memref<1x1000xi32, #tpu.memory_space<vmem>> -> memref<1000xi32, #tpu.memory_space<vmem>>
      %dma_start3A_456 = arith.constant 0 : i32
      %dma_start3A_457 = tpu.memref_slice %dma_start3A_455[%dma_start3A_456] : memref<1000xi32, #tpu.memory_space<vmem>> -> memref<128xi32, #tpu.memory_space<vmem>>
      %dma_start3A_458 = arith.constant 0 : i32
      %dma_start3A_459 = arith.constant 0 : i32
      %dma_start3A_460 = tpu.memref_slice %arg9[%dma_start3A_458, %dma_start3A_459] : memref<10000x16xf32, #tpu.memory_space<vmem_shared>> -> memref<10000x16xf32, #tpu.memory_space<vmem_shared>>
      tpu.enqueue_indirect_dma source(%dma_start3A_452 : memref<128x16xf32, #tpu.memory_space<vmem>>) target(%dma_start3A_460 : memref<10000x16xf32, #tpu.memory_space<vmem_shared>>) offsets(%dma_start3A_457 : memref<128xi32, #tpu.memory_space<vmem>>) semaphore(%arg12 : memref<!tpu.dma_semaphore, #tpu.memory_space<semaphore_mem>>) {add = true}
      %dma_start3A_461 = arith.constant 1 : i32
      %dma_start3A_462 = arith.constant 1 : i32
      %dma_start3A_463 = arith.constant 0 : i32
      %dma_start3A_464 = arith.constant 0 : i32
      %dma_start3A_465 = tpu.memref_slice %arg8[%dma_start3A_461, %dma_start3A_463, %dma_start3A_464] : memref<2x1000x16xf32, #tpu.memory_space<vmem>> -> memref<1x1000x16xf32, #tpu.memory_space<vmem>>
      %dma_start3A_466 = tpu.memref_squeeze %dma_start3A_465 : memref<1x1000x16xf32, #tpu.memory_space<vmem>> -> memref<1000x16xf32, #tpu.memory_space<vmem>>
      %dma_start3A_467 = arith.constant 128 : i32
      %dma_start3A_468 = arith.constant 0 : i32
      %dma_start3A_469 = tpu.memref_slice %dma_start3A_466[%dma_start3A_467, %dma_start3A_468] : memref<1000x16xf32, #tpu.memory_space<vmem>> -> memref<128x16xf32, #tpu.memory_space<vmem>>
      %dma_start3A_470 = arith.constant 0 : i32
      %dma_start3A_471 = tpu.memref_slice %arg6[%dma_start3A_462, %dma_start3A_470] : memref<2x1000xi32, #tpu.memory_space<vmem>> -> memref<1x1000xi32, #tpu.memory_space<vmem>>
      %dma_start3A_472 = tpu.memref_squeeze %dma_start3A_471 : memref<1x1000xi32, #tpu.memory_space<vmem>> -> memref<1000xi32, #tpu.memory_space<vmem>>
      %dma_start3A_473 = arith.constant 128 : i32
      %dma_start3A_474 = tpu.memref_slice %dma_start3A_472[%dma_start3A_473] : memref<1000xi32, #tpu.memory_space<vmem>> -> memref<128xi32, #tpu.memory_space<vmem>>
      %dma_start3A_475 = arith.constant 0 : i32
      %dma_start3A_476 = arith.constant 0 : i32
      %dma_start3A_477 = tpu.memref_slice %arg9[%dma_start3A_475, %dma_start3A_476] : memref<10000x16xf32, #tpu.memory_space<vmem_shared>> -> memref<10000x16xf32, #tpu.memory_space<vmem_shared>>
      tpu.enqueue_indirect_dma source(%dma_start3A_469 : memref<128x16xf32, #tpu.memory_space<vmem>>) target(%dma_start3A_477 : memref<10000x16xf32, #tpu.memory_space<vmem_shared>>) offsets(%dma_start3A_474 : memref<128xi32, #tpu.memory_space<vmem>>) semaphore(%arg12 : memref<!tpu.dma_semaphore, #tpu.memory_space<semaphore_mem>>) {add = true}
      %dma_start3A_478 = arith.constant 1 : i32
      %dma_start3A_479 = arith.constant 1 : i32
      %dma_start3A_480 = arith.constant 0 : i32
      %dma_start3A_481 = arith.constant 0 : i32
      %dma_start3A_482 = tpu.memref_slice %arg8[%dma_start3A_478, %dma_start3A_480, %dma_start3A_481] : memref<2x1000x16xf32, #tpu.memory_space<vmem>> -> memref<1x1000x16xf32, #tpu.memory_space<vmem>>
      %dma_start3A_483 = tpu.memref_squeeze %dma_start3A_482 : memref<1x1000x16xf32, #tpu.memory_space<vmem>> -> memref<1000x16xf32, #tpu.memory_space<vmem>>
      %dma_start3A_484 = arith.constant 256 : i32
      %dma_start3A_485 = arith.constant 0 : i32
      %dma_start3A_486 = tpu.memref_slice %dma_start3A_483[%dma_start3A_484, %dma_start3A_485] : memref<1000x16xf32, #tpu.memory_space<vmem>> -> memref<128x16xf32, #tpu.memory_space<vmem>>
      %dma_start3A_487 = arith.constant 0 : i32
      %dma_start3A_488 = tpu.memref_slice %arg6[%dma_start3A_479, %dma_start3A_487] : memref<2x1000xi32, #tpu.memory_space<vmem>> -> memref<1x1000xi32, #tpu.memory_space<vmem>>
      %dma_start3A_489 = tpu.memref_squeeze %dma_start3A_488 : memref<1x1000xi32, #tpu.memory_space<vmem>> -> memref<1000xi32, #tpu.memory_space<vmem>>
      %dma_start3A_490 = arith.constant 256 : i32
      %dma_start3A_491 = tpu.memref_slice %dma_start3A_489[%dma_start3A_490] : memref<1000xi32, #tpu.memory_space<vmem>> -> memref<128xi32, #tpu.memory_space<vmem>>
      %dma_start3A_492 = arith.constant 0 : i32
      %dma_start3A_493 = arith.constant 0 : i32
      %dma_start3A_494 = tpu.memref_slice %arg9[%dma_start3A_492, %dma_start3A_493] : memref<10000x16xf32, #tpu.memory_space<vmem_shared>> -> memref<10000x16xf32, #tpu.memory_space<vmem_shared>>
      tpu.enqueue_indirect_dma source(%dma_start3A_486 : memref<128x16xf32, #tpu.memory_space<vmem>>) target(%dma_start3A_494 : memref<10000x16xf32, #tpu.memory_space<vmem_shared>>) offsets(%dma_start3A_491 : memref<128xi32, #tpu.memory_space<vmem>>) semaphore(%arg12 : memref<!tpu.dma_semaphore, #tpu.memory_space<semaphore_mem>>) {add = true}
      %dma_start3A_495 = arith.constant 1 : i32
      %dma_start3A_496 = arith.constant 1 : i32
      %dma_start3A_497 = arith.constant 0 : i32
      %dma_start3A_498 = arith.constant 0 : i32
      %dma_start3A_499 = tpu.memref_slice %arg8[%dma_start3A_495, %dma_start3A_497, %dma_start3A_498] : memref<2x1000x16xf32, #tpu.memory_space<vmem>> -> memref<1x1000x16xf32, #tpu.memory_space<vmem>>
      %dma_start3A_500 = tpu.memref_squeeze %dma_start3A_499 : memref<1x1000x16xf32, #tpu.memory_space<vmem>> -> memref<1000x16xf32, #tpu.memory_space<vmem>>
      %dma_start3A_501 = arith.constant 384 : i32
      %dma_start3A_502 = arith.constant 0 : i32
      %dma_start3A_503 = tpu.memref_slice %dma_start3A_500[%dma_start3A_501, %dma_start3A_502] : memref<1000x16xf32, #tpu.memory_space<vmem>> -> memref<128x16xf32, #tpu.memory_space<vmem>>
      %dma_start3A_504 = arith.constant 0 : i32
      %dma_start3A_505 = tpu.memref_slice %arg6[%dma_start3A_496, %dma_start3A_504] : memref<2x1000xi32, #tpu.memory_space<vmem>> -> memref<1x1000xi32, #tpu.memory_space<vmem>>
      %dma_start3A_506 = tpu.memref_squeeze %dma_start3A_505 : memref<1x1000xi32, #tpu.memory_space<vmem>> -> memref<1000xi32, #tpu.memory_space<vmem>>
      %dma_start3A_507 = arith.constant 384 : i32
      %dma_start3A_508 = tpu.memref_slice %dma_start3A_506[%dma_start3A_507] : memref<1000xi32, #tpu.memory_space<vmem>> -> memref<128xi32, #tpu.memory_space<vmem>>
      %dma_start3A_509 = arith.constant 0 : i32
      %dma_start3A_510 = arith.constant 0 : i32
      %dma_start3A_511 = tpu.memref_slice %arg9[%dma_start3A_509, %dma_start3A_510] : memref<10000x16xf32, #tpu.memory_space<vmem_shared>> -> memref<10000x16xf32, #tpu.memory_space<vmem_shared>>
      tpu.enqueue_indirect_dma source(%dma_start3A_503 : memref<128x16xf32, #tpu.memory_space<vmem>>) target(%dma_start3A_511 : memref<10000x16xf32, #tpu.memory_space<vmem_shared>>) offsets(%dma_start3A_508 : memref<128xi32, #tpu.memory_space<vmem>>) semaphore(%arg12 : memref<!tpu.dma_semaphore, #tpu.memory_space<semaphore_mem>>) {add = true}
      %dma_start3A_512 = arith.constant 1 : i32
      %dma_start3A_513 = arith.constant 1 : i32
      %dma_start3A_514 = arith.constant 0 : i32
      %dma_start3A_515 = arith.constant 0 : i32
      %dma_start3A_516 = tpu.memref_slice %arg8[%dma_start3A_512, %dma_start3A_514, %dma_start3A_515] : memref<2x1000x16xf32, #tpu.memory_space<vmem>> -> memref<1x1000x16xf32, #tpu.memory_space<vmem>>
      %dma_start3A_517 = tpu.memref_squeeze %dma_start3A_516 : memref<1x1000x16xf32, #tpu.memory_space<vmem>> -> memref<1000x16xf32, #tpu.memory_space<vmem>>
      %dma_start3A_518 = arith.constant 512 : i32
      %dma_start3A_519 = arith.constant 0 : i32
      %dma_start3A_520 = tpu.memref_slice %dma_start3A_517[%dma_start3A_518, %dma_start3A_519] : memref<1000x16xf32, #tpu.memory_space<vmem>> -> memref<128x16xf32, #tpu.memory_space<vmem>>
      %dma_start3A_521 = arith.constant 0 : i32
      %dma_start3A_522 = tpu.memref_slice %arg6[%dma_start3A_513, %dma_start3A_521] : memref<2x1000xi32, #tpu.memory_space<vmem>> -> memref<1x1000xi32, #tpu.memory_space<vmem>>
      %dma_start3A_523 = tpu.memref_squeeze %dma_start3A_522 : memref<1x1000xi32, #tpu.memory_space<vmem>> -> memref<1000xi32, #tpu.memory_space<vmem>>
      %dma_start3A_524 = arith.constant 512 : i32
      %dma_start3A_525 = tpu.memref_slice %dma_start3A_523[%dma_start3A_524] : memref<1000xi32, #tpu.memory_space<vmem>> -> memref<128xi32, #tpu.memory_space<vmem>>
      %dma_start3A_526 = arith.constant 0 : i32
      %dma_start3A_527 = arith.constant 0 : i32
      %dma_start3A_528 = tpu.memref_slice %arg9[%dma_start3A_526, %dma_start3A_527] : memref<10000x16xf32, #tpu.memory_space<vmem_shared>> -> memref<10000x16xf32, #tpu.memory_space<vmem_shared>>
      tpu.enqueue_indirect_dma source(%dma_start3A_520 : memref<128x16xf32, #tpu.memory_space<vmem>>) target(%dma_start3A_528 : memref<10000x16xf32, #tpu.memory_space<vmem_shared>>) offsets(%dma_start3A_525 : memref<128xi32, #tpu.memory_space<vmem>>) semaphore(%arg12 : memref<!tpu.dma_semaphore, #tpu.memory_space<semaphore_mem>>) {add = true}
      %dma_start3A_529 = arith.constant 1 : i32
      %dma_start3A_530 = arith.constant 1 : i32
      %dma_start3A_531 = arith.constant 0 : i32
      %dma_start3A_532 = arith.constant 0 : i32
      %dma_start3A_533 = tpu.memref_slice %arg8[%dma_start3A_529, %dma_start3A_531, %dma_start3A_532] : memref<2x1000x16xf32, #tpu.memory_space<vmem>> -> memref<1x1000x16xf32, #tpu.memory_space<vmem>>
      %dma_start3A_534 = tpu.memref_squeeze %dma_start3A_533 : memref<1x1000x16xf32, #tpu.memory_space<vmem>> -> memref<1000x16xf32, #tpu.memory_space<vmem>>
      %dma_start3A_535 = arith.constant 640 : i32
      %dma_start3A_536 = arith.constant 0 : i32
      %dma_start3A_537 = tpu.memref_slice %dma_start3A_534[%dma_start3A_535, %dma_start3A_536] : memref<1000x16xf32, #tpu.memory_space<vmem>> -> memref<128x16xf32, #tpu.memory_space<vmem>>
      %dma_start3A_538 = arith.constant 0 : i32
      %dma_start3A_539 = tpu.memref_slice %arg6[%dma_start3A_530, %dma_start3A_538] : memref<2x1000xi32, #tpu.memory_space<vmem>> -> memref<1x1000xi32, #tpu.memory_space<vmem>>
      %dma_start3A_540 = tpu.memref_squeeze %dma_start3A_539 : memref<1x1000xi32, #tpu.memory_space<vmem>> -> memref<1000xi32, #tpu.memory_space<vmem>>
      %dma_start3A_541 = arith.constant 640 : i32
      %dma_start3A_542 = tpu.memref_slice %dma_start3A_540[%dma_start3A_541] : memref<1000xi32, #tpu.memory_space<vmem>> -> memref<128xi32, #tpu.memory_space<vmem>>
      %dma_start3A_543 = arith.constant 0 : i32
      %dma_start3A_544 = arith.constant 0 : i32
      %dma_start3A_545 = tpu.memref_slice %arg9[%dma_start3A_543, %dma_start3A_544] : memref<10000x16xf32, #tpu.memory_space<vmem_shared>> -> memref<10000x16xf32, #tpu.memory_space<vmem_shared>>
      tpu.enqueue_indirect_dma source(%dma_start3A_537 : memref<128x16xf32, #tpu.memory_space<vmem>>) target(%dma_start3A_545 : memref<10000x16xf32, #tpu.memory_space<vmem_shared>>) offsets(%dma_start3A_542 : memref<128xi32, #tpu.memory_space<vmem>>) semaphore(%arg12 : memref<!tpu.dma_semaphore, #tpu.memory_space<semaphore_mem>>) {add = true}
      %dma_start3A_546 = arith.constant 1 : i32
      %dma_start3A_547 = arith.constant 1 : i32
      %dma_start3A_548 = arith.constant 0 : i32
      %dma_start3A_549 = arith.constant 0 : i32
      %dma_start3A_550 = tpu.memref_slice %arg8[%dma_start3A_546, %dma_start3A_548, %dma_start3A_549] : memref<2x1000x16xf32, #tpu.memory_space<vmem>> -> memref<1x1000x16xf32, #tpu.memory_space<vmem>>
      %dma_start3A_551 = tpu.memref_squeeze %dma_start3A_550 : memref<1x1000x16xf32, #tpu.memory_space<vmem>> -> memref<1000x16xf32, #tpu.memory_space<vmem>>
      %dma_start3A_552 = arith.constant 768 : i32
      %dma_start3A_553 = arith.constant 0 : i32
      %dma_start3A_554 = tpu.memref_slice %dma_start3A_551[%dma_start3A_552, %dma_start3A_553] : memref<1000x16xf32, #tpu.memory_space<vmem>> -> memref<128x16xf32, #tpu.memory_space<vmem>>
      %dma_start3A_555 = arith.constant 0 : i32
      %dma_start3A_556 = tpu.memref_slice %arg6[%dma_start3A_547, %dma_start3A_555] : memref<2x1000xi32, #tpu.memory_space<vmem>> -> memref<1x1000xi32, #tpu.memory_space<vmem>>
      %dma_start3A_557 = tpu.memref_squeeze %dma_start3A_556 : memref<1x1000xi32, #tpu.memory_space<vmem>> -> memref<1000xi32, #tpu.memory_space<vmem>>
      %dma_start3A_558 = arith.constant 768 : i32
      %dma_start3A_559 = tpu.memref_slice %dma_start3A_557[%dma_start3A_558] : memref<1000xi32, #tpu.memory_space<vmem>> -> memref<128xi32, #tpu.memory_space<vmem>>
      %dma_start3A_560 = arith.constant 0 : i32
      %dma_start3A_561 = arith.constant 0 : i32
      %dma_start3A_562 = tpu.memref_slice %arg9[%dma_start3A_560, %dma_start3A_561] : memref<10000x16xf32, #tpu.memory_space<vmem_shared>> -> memref<10000x16xf32, #tpu.memory_space<vmem_shared>>
      tpu.enqueue_indirect_dma source(%dma_start3A_554 : memref<128x16xf32, #tpu.memory_space<vmem>>) target(%dma_start3A_562 : memref<10000x16xf32, #tpu.memory_space<vmem_shared>>) offsets(%dma_start3A_559 : memref<128xi32, #tpu.memory_space<vmem>>) semaphore(%arg12 : memref<!tpu.dma_semaphore, #tpu.memory_space<semaphore_mem>>) {add = true}
      %dma_start3A_563 = arith.constant 1 : i32
      %dma_start3A_564 = arith.constant 1 : i32
      %dma_start3A_565 = arith.constant 0 : i32
      %dma_start3A_566 = arith.constant 0 : i32
      %dma_start3A_567 = tpu.memref_slice %arg8[%dma_start3A_563, %dma_start3A_565, %dma_start3A_566] : memref<2x1000x16xf32, #tpu.memory_space<vmem>> -> memref<1x1000x16xf32, #tpu.memory_space<vmem>>
      %dma_start3A_568 = tpu.memref_squeeze %dma_start3A_567 : memref<1x1000x16xf32, #tpu.memory_space<vmem>> -> memref<1000x16xf32, #tpu.memory_space<vmem>>
      %dma_start3A_569 = arith.constant 896 : i32
      %dma_start3A_570 = arith.constant 0 : i32
      %dma_start3A_571 = tpu.memref_slice %dma_start3A_568[%dma_start3A_569, %dma_start3A_570] : memref<1000x16xf32, #tpu.memory_space<vmem>> -> memref<104x16xf32, #tpu.memory_space<vmem>>
      %dma_start3A_572 = arith.constant 0 : i32
      %dma_start3A_573 = tpu.memref_slice %arg6[%dma_start3A_564, %dma_start3A_572] : memref<2x1000xi32, #tpu.memory_space<vmem>> -> memref<1x1000xi32, #tpu.memory_space<vmem>>
      %dma_start3A_574 = tpu.memref_squeeze %dma_start3A_573 : memref<1x1000xi32, #tpu.memory_space<vmem>> -> memref<1000xi32, #tpu.memory_space<vmem>>
      %dma_start3A_575 = arith.constant 896 : i32
      %dma_start3A_576 = tpu.memref_slice %dma_start3A_574[%dma_start3A_575] : memref<1000xi32, #tpu.memory_space<vmem>> -> memref<104xi32, #tpu.memory_space<vmem>>
      %dma_start3A_577 = arith.constant 0 : i32
      %dma_start3A_578 = arith.constant 0 : i32
      %dma_start3A_579 = tpu.memref_slice %arg9[%dma_start3A_577, %dma_start3A_578] : memref<10000x16xf32, #tpu.memory_space<vmem_shared>> -> memref<10000x16xf32, #tpu.memory_space<vmem_shared>>
      tpu.enqueue_indirect_dma source(%dma_start3A_571 : memref<104x16xf32, #tpu.memory_space<vmem>>) target(%dma_start3A_579 : memref<10000x16xf32, #tpu.memory_space<vmem_shared>>) offsets(%dma_start3A_576 : memref<104xi32, #tpu.memory_space<vmem>>) semaphore(%arg12 : memref<!tpu.dma_semaphore, #tpu.memory_space<semaphore_mem>>) {add = true}
      %dma_wait3A_580 = arith.constant 1 : i32
      %dma_wait3A_581 = arith.constant 1 : i32
      %dma_wait3A_582 = arith.constant 0 : i32
      %dma_wait3A_583 = arith.constant 0 : i32
      %dma_wait3A_584 = tpu.memref_slice %arg8[%dma_wait3A_580, %dma_wait3A_582, %dma_wait3A_583] : memref<2x1000x16xf32, #tpu.memory_space<vmem>> -> memref<1x1000x16xf32, #tpu.memory_space<vmem>>
      %dma_wait3A_585 = tpu.memref_squeeze %dma_wait3A_584 : memref<1x1000x16xf32, #tpu.memory_space<vmem>> -> memref<1000x16xf32, #tpu.memory_space<vmem>>
      %dma_wait3A_586 = arith.constant 0 : i32
      %dma_wait3A_587 = arith.constant 0 : i32
      %dma_wait3A_588 = tpu.memref_slice %dma_wait3A_585[%dma_wait3A_586, %dma_wait3A_587] : memref<1000x16xf32, #tpu.memory_space<vmem>> -> memref<128x16xf32, #tpu.memory_space<vmem>>
      %dma_wait3A_589 = arith.constant 0 : i32
      %dma_wait3A_590 = tpu.memref_slice %arg6[%dma_wait3A_581, %dma_wait3A_589] : memref<2x1000xi32, #tpu.memory_space<vmem>> -> memref<1x1000xi32, #tpu.memory_space<vmem>>
      %dma_wait3A_591 = tpu.memref_squeeze %dma_wait3A_590 : memref<1x1000xi32, #tpu.memory_space<vmem>> -> memref<1000xi32, #tpu.memory_space<vmem>>
      %dma_wait3A_592 = arith.constant 0 : i32
      %dma_wait3A_593 = tpu.memref_slice %dma_wait3A_591[%dma_wait3A_592] : memref<1000xi32, #tpu.memory_space<vmem>> -> memref<128xi32, #tpu.memory_space<vmem>>
      %dma_wait3A_594 = arith.constant 0 : i32
      %dma_wait3A_595 = arith.constant 0 : i32
      %dma_wait3A_596 = tpu.memref_slice %arg9[%dma_wait3A_594, %dma_wait3A_595] : memref<10000x16xf32, #tpu.memory_space<vmem_shared>> -> memref<10000x16xf32, #tpu.memory_space<vmem_shared>>
      tpu.wait_indirect_dma semaphore(%arg12 : memref<!tpu.dma_semaphore, #tpu.memory_space<semaphore_mem>>) src(%dma_wait3A_588 : memref<128x16xf32, #tpu.memory_space<vmem>>) dst(%dma_wait3A_596 : memref<10000x16xf32, #tpu.memory_space<vmem_shared>>)
      %dma_wait3A_597 = arith.constant 1 : i32
      %dma_wait3A_598 = arith.constant 1 : i32
      %dma_wait3A_599 = arith.constant 0 : i32
      %dma_wait3A_600 = arith.constant 0 : i32
      %dma_wait3A_601 = tpu.memref_slice %arg8[%dma_wait3A_597, %dma_wait3A_599, %dma_wait3A_600] : memref<2x1000x16xf32, #tpu.memory_space<vmem>> -> memref<1x1000x16xf32, #tpu.memory_space<vmem>>
      %dma_wait3A_602 = tpu.memref_squeeze %dma_wait3A_601 : memref<1x1000x16xf32, #tpu.memory_space<vmem>> -> memref<1000x16xf32, #tpu.memory_space<vmem>>
      %dma_wait3A_603 = arith.constant 128 : i32
      %dma_wait3A_604 = arith.constant 0 : i32
      %dma_wait3A_605 = tpu.memref_slice %dma_wait3A_602[%dma_wait3A_603, %dma_wait3A_604] : memref<1000x16xf32, #tpu.memory_space<vmem>> -> memref<128x16xf32, #tpu.memory_space<vmem>>
      %dma_wait3A_606 = arith.constant 0 : i32
      %dma_wait3A_607 = tpu.memref_slice %arg6[%dma_wait3A_598, %dma_wait3A_606] : memref<2x1000xi32, #tpu.memory_space<vmem>> -> memref<1x1000xi32, #tpu.memory_space<vmem>>
      %dma_wait3A_608 = tpu.memref_squeeze %dma_wait3A_607 : memref<1x1000xi32, #tpu.memory_space<vmem>> -> memref<1000xi32, #tpu.memory_space<vmem>>
      %dma_wait3A_609 = arith.constant 128 : i32
      %dma_wait3A_610 = tpu.memref_slice %dma_wait3A_608[%dma_wait3A_609] : memref<1000xi32, #tpu.memory_space<vmem>> -> memref<128xi32, #tpu.memory_space<vmem>>
      %dma_wait3A_611 = arith.constant 0 : i32
      %dma_wait3A_612 = arith.constant 0 : i32
      %dma_wait3A_613 = tpu.memref_slice %arg9[%dma_wait3A_611, %dma_wait3A_612] : memref<10000x16xf32, #tpu.memory_space<vmem_shared>> -> memref<10000x16xf32, #tpu.memory_space<vmem_shared>>
      tpu.wait_indirect_dma semaphore(%arg12 : memref<!tpu.dma_semaphore, #tpu.memory_space<semaphore_mem>>) src(%dma_wait3A_605 : memref<128x16xf32, #tpu.memory_space<vmem>>) dst(%dma_wait3A_613 : memref<10000x16xf32, #tpu.memory_space<vmem_shared>>)
      %dma_wait3A_614 = arith.constant 1 : i32
      %dma_wait3A_615 = arith.constant 1 : i32
      %dma_wait3A_616 = arith.constant 0 : i32
      %dma_wait3A_617 = arith.constant 0 : i32
      %dma_wait3A_618 = tpu.memref_slice %arg8[%dma_wait3A_614, %dma_wait3A_616, %dma_wait3A_617] : memref<2x1000x16xf32, #tpu.memory_space<vmem>> -> memref<1x1000x16xf32, #tpu.memory_space<vmem>>
      %dma_wait3A_619 = tpu.memref_squeeze %dma_wait3A_618 : memref<1x1000x16xf32, #tpu.memory_space<vmem>> -> memref<1000x16xf32, #tpu.memory_space<vmem>>
      %dma_wait3A_620 = arith.constant 256 : i32
      %dma_wait3A_621 = arith.constant 0 : i32
      %dma_wait3A_622 = tpu.memref_slice %dma_wait3A_619[%dma_wait3A_620, %dma_wait3A_621] : memref<1000x16xf32, #tpu.memory_space<vmem>> -> memref<128x16xf32, #tpu.memory_space<vmem>>
      %dma_wait3A_623 = arith.constant 0 : i32
      %dma_wait3A_624 = tpu.memref_slice %arg6[%dma_wait3A_615, %dma_wait3A_623] : memref<2x1000xi32, #tpu.memory_space<vmem>> -> memref<1x1000xi32, #tpu.memory_space<vmem>>
      %dma_wait3A_625 = tpu.memref_squeeze %dma_wait3A_624 : memref<1x1000xi32, #tpu.memory_space<vmem>> -> memref<1000xi32, #tpu.memory_space<vmem>>
      %dma_wait3A_626 = arith.constant 256 : i32
      %dma_wait3A_627 = tpu.memref_slice %dma_wait3A_625[%dma_wait3A_626] : memref<1000xi32, #tpu.memory_space<vmem>> -> memref<128xi32, #tpu.memory_space<vmem>>
      %dma_wait3A_628 = arith.constant 0 : i32
      %dma_wait3A_629 = arith.constant 0 : i32
      %dma_wait3A_630 = tpu.memref_slice %arg9[%dma_wait3A_628, %dma_wait3A_629] : memref<10000x16xf32, #tpu.memory_space<vmem_shared>> -> memref<10000x16xf32, #tpu.memory_space<vmem_shared>>
      tpu.wait_indirect_dma semaphore(%arg12 : memref<!tpu.dma_semaphore, #tpu.memory_space<semaphore_mem>>) src(%dma_wait3A_622 : memref<128x16xf32, #tpu.memory_space<vmem>>) dst(%dma_wait3A_630 : memref<10000x16xf32, #tpu.memory_space<vmem_shared>>)
      %dma_wait3A_631 = arith.constant 1 : i32
      %dma_wait3A_632 = arith.constant 1 : i32
      %dma_wait3A_633 = arith.constant 0 : i32
      %dma_wait3A_634 = arith.constant 0 : i32
      %dma_wait3A_635 = tpu.memref_slice %arg8[%dma_wait3A_631, %dma_wait3A_633, %dma_wait3A_634] : memref<2x1000x16xf32, #tpu.memory_space<vmem>> -> memref<1x1000x16xf32, #tpu.memory_space<vmem>>
      %dma_wait3A_636 = tpu.memref_squeeze %dma_wait3A_635 : memref<1x1000x16xf32, #tpu.memory_space<vmem>> -> memref<1000x16xf32, #tpu.memory_space<vmem>>
      %dma_wait3A_637 = arith.constant 384 : i32
      %dma_wait3A_638 = arith.constant 0 : i32
      %dma_wait3A_639 = tpu.memref_slice %dma_wait3A_636[%dma_wait3A_637, %dma_wait3A_638] : memref<1000x16xf32, #tpu.memory_space<vmem>> -> memref<128x16xf32, #tpu.memory_space<vmem>>
      %dma_wait3A_640 = arith.constant 0 : i32
      %dma_wait3A_641 = tpu.memref_slice %arg6[%dma_wait3A_632, %dma_wait3A_640] : memref<2x1000xi32, #tpu.memory_space<vmem>> -> memref<1x1000xi32, #tpu.memory_space<vmem>>
      %dma_wait3A_642 = tpu.memref_squeeze %dma_wait3A_641 : memref<1x1000xi32, #tpu.memory_space<vmem>> -> memref<1000xi32, #tpu.memory_space<vmem>>
      %dma_wait3A_643 = arith.constant 384 : i32
      %dma_wait3A_644 = tpu.memref_slice %dma_wait3A_642[%dma_wait3A_643] : memref<1000xi32, #tpu.memory_space<vmem>> -> memref<128xi32, #tpu.memory_space<vmem>>
      %dma_wait3A_645 = arith.constant 0 : i32
      %dma_wait3A_646 = arith.constant 0 : i32
      %dma_wait3A_647 = tpu.memref_slice %arg9[%dma_wait3A_645, %dma_wait3A_646] : memref<10000x16xf32, #tpu.memory_space<vmem_shared>> -> memref<10000x16xf32, #tpu.memory_space<vmem_shared>>
      tpu.wait_indirect_dma semaphore(%arg12 : memref<!tpu.dma_semaphore, #tpu.memory_space<semaphore_mem>>) src(%dma_wait3A_639 : memref<128x16xf32, #tpu.memory_space<vmem>>) dst(%dma_wait3A_647 : memref<10000x16xf32, #tpu.memory_space<vmem_shared>>)
      %dma_wait3A_648 = arith.constant 1 : i32
      %dma_wait3A_649 = arith.constant 1 : i32
      %dma_wait3A_650 = arith.constant 0 : i32
      %dma_wait3A_651 = arith.constant 0 : i32
      %dma_wait3A_652 = tpu.memref_slice %arg8[%dma_wait3A_648, %dma_wait3A_650, %dma_wait3A_651] : memref<2x1000x16xf32, #tpu.memory_space<vmem>> -> memref<1x1000x16xf32, #tpu.memory_space<vmem>>
      %dma_wait3A_653 = tpu.memref_squeeze %dma_wait3A_652 : memref<1x1000x16xf32, #tpu.memory_space<vmem>> -> memref<1000x16xf32, #tpu.memory_space<vmem>>
      %dma_wait3A_654 = arith.constant 512 : i32
      %dma_wait3A_655 = arith.constant 0 : i32
      %dma_wait3A_656 = tpu.memref_slice %dma_wait3A_653[%dma_wait3A_654, %dma_wait3A_655] : memref<1000x16xf32, #tpu.memory_space<vmem>> -> memref<128x16xf32, #tpu.memory_space<vmem>>
      %dma_wait3A_657 = arith.constant 0 : i32
      %dma_wait3A_658 = tpu.memref_slice %arg6[%dma_wait3A_649, %dma_wait3A_657] : memref<2x1000xi32, #tpu.memory_space<vmem>> -> memref<1x1000xi32, #tpu.memory_space<vmem>>
      %dma_wait3A_659 = tpu.memref_squeeze %dma_wait3A_658 : memref<1x1000xi32, #tpu.memory_space<vmem>> -> memref<1000xi32, #tpu.memory_space<vmem>>
      %dma_wait3A_660 = arith.constant 512 : i32
      %dma_wait3A_661 = tpu.memref_slice %dma_wait3A_659[%dma_wait3A_660] : memref<1000xi32, #tpu.memory_space<vmem>> -> memref<128xi32, #tpu.memory_space<vmem>>
      %dma_wait3A_662 = arith.constant 0 : i32
      %dma_wait3A_663 = arith.constant 0 : i32
      %dma_wait3A_664 = tpu.memref_slice %arg9[%dma_wait3A_662, %dma_wait3A_663] : memref<10000x16xf32, #tpu.memory_space<vmem_shared>> -> memref<10000x16xf32, #tpu.memory_space<vmem_shared>>
      tpu.wait_indirect_dma semaphore(%arg12 : memref<!tpu.dma_semaphore, #tpu.memory_space<semaphore_mem>>) src(%dma_wait3A_656 : memref<128x16xf32, #tpu.memory_space<vmem>>) dst(%dma_wait3A_664 : memref<10000x16xf32, #tpu.memory_space<vmem_shared>>)
      %dma_wait3A_665 = arith.constant 1 : i32
      %dma_wait3A_666 = arith.constant 1 : i32
      %dma_wait3A_667 = arith.constant 0 : i32
      %dma_wait3A_668 = arith.constant 0 : i32
      %dma_wait3A_669 = tpu.memref_slice %arg8[%dma_wait3A_665, %dma_wait3A_667, %dma_wait3A_668] : memref<2x1000x16xf32, #tpu.memory_space<vmem>> -> memref<1x1000x16xf32, #tpu.memory_space<vmem>>
      %dma_wait3A_670 = tpu.memref_squeeze %dma_wait3A_669 : memref<1x1000x16xf32, #tpu.memory_space<vmem>> -> memref<1000x16xf32, #tpu.memory_space<vmem>>
      %dma_wait3A_671 = arith.constant 640 : i32
      %dma_wait3A_672 = arith.constant 0 : i32
      %dma_wait3A_673 = tpu.memref_slice %dma_wait3A_670[%dma_wait3A_671, %dma_wait3A_672] : memref<1000x16xf32, #tpu.memory_space<vmem>> -> memref<128x16xf32, #tpu.memory_space<vmem>>
      %dma_wait3A_674 = arith.constant 0 : i32
      %dma_wait3A_675 = tpu.memref_slice %arg6[%dma_wait3A_666, %dma_wait3A_674] : memref<2x1000xi32, #tpu.memory_space<vmem>> -> memref<1x1000xi32, #tpu.memory_space<vmem>>
      %dma_wait3A_676 = tpu.memref_squeeze %dma_wait3A_675 : memref<1x1000xi32, #tpu.memory_space<vmem>> -> memref<1000xi32, #tpu.memory_space<vmem>>
      %dma_wait3A_677 = arith.constant 640 : i32
      %dma_wait3A_678 = tpu.memref_slice %dma_wait3A_676[%dma_wait3A_677] : memref<1000xi32, #tpu.memory_space<vmem>> -> memref<128xi32, #tpu.memory_space<vmem>>
      %dma_wait3A_679 = arith.constant 0 : i32
      %dma_wait3A_680 = arith.constant 0 : i32
      %dma_wait3A_681 = tpu.memref_slice %arg9[%dma_wait3A_679, %dma_wait3A_680] : memref<10000x16xf32, #tpu.memory_space<vmem_shared>> -> memref<10000x16xf32, #tpu.memory_space<vmem_shared>>
      tpu.wait_indirect_dma semaphore(%arg12 : memref<!tpu.dma_semaphore, #tpu.memory_space<semaphore_mem>>) src(%dma_wait3A_673 : memref<128x16xf32, #tpu.memory_space<vmem>>) dst(%dma_wait3A_681 : memref<10000x16xf32, #tpu.memory_space<vmem_shared>>)
      %dma_wait3A_682 = arith.constant 1 : i32
      %dma_wait3A_683 = arith.constant 1 : i32
      %dma_wait3A_684 = arith.constant 0 : i32
      %dma_wait3A_685 = arith.constant 0 : i32
      %dma_wait3A_686 = tpu.memref_slice %arg8[%dma_wait3A_682, %dma_wait3A_684, %dma_wait3A_685] : memref<2x1000x16xf32, #tpu.memory_space<vmem>> -> memref<1x1000x16xf32, #tpu.memory_space<vmem>>
      %dma_wait3A_687 = tpu.memref_squeeze %dma_wait3A_686 : memref<1x1000x16xf32, #tpu.memory_space<vmem>> -> memref<1000x16xf32, #tpu.memory_space<vmem>>
      %dma_wait3A_688 = arith.constant 768 : i32
      %dma_wait3A_689 = arith.constant 0 : i32
      %dma_wait3A_690 = tpu.memref_slice %dma_wait3A_687[%dma_wait3A_688, %dma_wait3A_689] : memref<1000x16xf32, #tpu.memory_space<vmem>> -> memref<128x16xf32, #tpu.memory_space<vmem>>
      %dma_wait3A_691 = arith.constant 0 : i32
      %dma_wait3A_692 = tpu.memref_slice %arg6[%dma_wait3A_683, %dma_wait3A_691] : memref<2x1000xi32, #tpu.memory_space<vmem>> -> memref<1x1000xi32, #tpu.memory_space<vmem>>
      %dma_wait3A_693 = tpu.memref_squeeze %dma_wait3A_692 : memref<1x1000xi32, #tpu.memory_space<vmem>> -> memref<1000xi32, #tpu.memory_space<vmem>>
      %dma_wait3A_694 = arith.constant 768 : i32
      %dma_wait3A_695 = tpu.memref_slice %dma_wait3A_693[%dma_wait3A_694] : memref<1000xi32, #tpu.memory_space<vmem>> -> memref<128xi32, #tpu.memory_space<vmem>>
      %dma_wait3A_696 = arith.constant 0 : i32
      %dma_wait3A_697 = arith.constant 0 : i32
      %dma_wait3A_698 = tpu.memref_slice %arg9[%dma_wait3A_696, %dma_wait3A_697] : memref<10000x16xf32, #tpu.memory_space<vmem_shared>> -> memref<10000x16xf32, #tpu.memory_space<vmem_shared>>
      tpu.wait_indirect_dma semaphore(%arg12 : memref<!tpu.dma_semaphore, #tpu.memory_space<semaphore_mem>>) src(%dma_wait3A_690 : memref<128x16xf32, #tpu.memory_space<vmem>>) dst(%dma_wait3A_698 : memref<10000x16xf32, #tpu.memory_space<vmem_shared>>)
      %dma_wait3A_699 = arith.constant 1 : i32
      %dma_wait3A_700 = arith.constant 1 : i32
      %dma_wait3A_701 = arith.constant 0 : i32
      %dma_wait3A_702 = arith.constant 0 : i32
      %dma_wait3A_703 = tpu.memref_slice %arg8[%dma_wait3A_699, %dma_wait3A_701, %dma_wait3A_702] : memref<2x1000x16xf32, #tpu.memory_space<vmem>> -> memref<1x1000x16xf32, #tpu.memory_space<vmem>>
      %dma_wait3A_704 = tpu.memref_squeeze %dma_wait3A_703 : memref<1x1000x16xf32, #tpu.memory_space<vmem>> -> memref<1000x16xf32, #tpu.memory_space<vmem>>
      %dma_wait3A_705 = arith.constant 896 : i32
      %dma_wait3A_706 = arith.constant 0 : i32
      %dma_wait3A_707 = tpu.memref_slice %dma_wait3A_704[%dma_wait3A_705, %dma_wait3A_706] : memref<1000x16xf32, #tpu.memory_space<vmem>> -> memref<104x16xf32, #tpu.memory_space<vmem>>
      %dma_wait3A_708 = arith.constant 0 : i32
      %dma_wait3A_709 = tpu.memref_slice %arg6[%dma_wait3A_700, %dma_wait3A_708] : memref<2x1000xi32, #tpu.memory_space<vmem>> -> memref<1x1000xi32, #tpu.memory_space<vmem>>
      %dma_wait3A_710 = tpu.memref_squeeze %dma_wait3A_709 : memref<1x1000xi32, #tpu.memory_space<vmem>> -> memref<1000xi32, #tpu.memory_space<vmem>>
      %dma_wait3A_711 = arith.constant 896 : i32
      %dma_wait3A_712 = tpu.memref_slice %dma_wait3A_710[%dma_wait3A_711] : memref<1000xi32, #tpu.memory_space<vmem>> -> memref<104xi32, #tpu.memory_space<vmem>>
      %dma_wait3A_713 = arith.constant 0 : i32
      %dma_wait3A_714 = arith.constant 0 : i32
      %dma_wait3A_715 = tpu.memref_slice %arg9[%dma_wait3A_713, %dma_wait3A_714] : memref<10000x16xf32, #tpu.memory_space<vmem_shared>> -> memref<10000x16xf32, #tpu.memory_space<vmem_shared>>
      tpu.wait_indirect_dma semaphore(%arg12 : memref<!tpu.dma_semaphore, #tpu.memory_space<semaphore_mem>>) src(%dma_wait3A_707 : memref<104x16xf32, #tpu.memory_space<vmem>>) dst(%dma_wait3A_715 : memref<10000x16xf32, #tpu.memory_space<vmem_shared>>)
      %add3A_716 = arith.constant 3 : i32
      %add3A_717 = arith.addi %add3A_93, %add3A_716 : i32
      %lt3A_718 = arith.constant 10 : i32
      %lt3A_719 = arith.cmpi slt, %add3A_717, %lt3A_718 : i32
      %convert_element_type3A_720 = arith.extui %lt3A_719 : i1 to i32
      %cond3A_721 = arith.constant 0 : i32
      %cond3A_722 = arith.cmpi ne, %convert_element_type3A_720, %cond3A_721 : i32
      scf.if %cond3A_722 {
        %add3A_723 = arith.constant 3 : i32
        %add3A_724 = arith.addi %add3A_93, %add3A_723 : i32
        %mul3A_725 = arith.constant 1000 : i32
        %mul3A_726 = arith.muli %add3A_724, %mul3A_725 : i32
        %add3A_727 = arith.addi %mul3A_2, %mul3A_726 : i32
        %dma_start3A_728 = arith.constant 1 : i32
        %dma_start3A_729 = arith.constant 0 : i32
        %dma_start3A_730 = tpu.memref_slice %arg6[%dma_start3A_728, %dma_start3A_729] : memref<2x1000xi32, #tpu.memory_space<vmem>> -> memref<1x1000xi32, #tpu.memory_space<vmem>>
        %dma_start3A_731 = tpu.memref_squeeze %dma_start3A_730 : memref<1x1000xi32, #tpu.memory_space<vmem>> -> memref<1000xi32, #tpu.memory_space<vmem>>
        %dma_start3A_732 = arith.constant 0 : i32
        %dma_start3A_733 = tpu.memref_slice %arg2[%scan3A, %dma_start3A_732] : memref<2x320000xi32, #tpu.memory_space<hbm>> -> memref<1x320000xi32, #tpu.memory_space<hbm>>
        %dma_start3A_734 = tpu.memref_squeeze %dma_start3A_733 : memref<1x320000xi32, #tpu.memory_space<hbm>> -> memref<320000xi32, #tpu.memory_space<hbm>>
        %dma_start3A_735 = tpu.memref_slice %dma_start3A_734[%add3A_727] : memref<320000xi32, #tpu.memory_space<hbm>> -> memref<1000xi32, #tpu.memory_space<hbm>>
        %dma_start3A_736 = arith.constant 0 : i32
        %dma_start3A_737 = tpu.memref_slice %arg6[%dma_start3A_728, %dma_start3A_736] : memref<2x1000xi32, #tpu.memory_space<vmem>> -> memref<1x1000xi32, #tpu.memory_space<vmem>>
        %dma_start3A_738 = tpu.memref_squeeze %dma_start3A_737 : memref<1x1000xi32, #tpu.memory_space<vmem>> -> memref<1000xi32, #tpu.memory_space<vmem>>
        %dma_start3A_739 = arith.constant 0 : i32
        %dma_start3A_740 = tpu.memref_slice %arg2[%scan3A, %dma_start3A_739] : memref<2x320000xi32, #tpu.memory_space<hbm>> -> memref<1x320000xi32, #tpu.memory_space<hbm>>
        %dma_start3A_741 = tpu.memref_squeeze %dma_start3A_740 : memref<1x320000xi32, #tpu.memory_space<hbm>> -> memref<320000xi32, #tpu.memory_space<hbm>>
        %dma_start3A_742 = tpu.memref_slice %dma_start3A_741[%add3A_727] : memref<320000xi32, #tpu.memory_space<hbm>> -> memref<1000xi32, #tpu.memory_space<hbm>>
        tpu.enqueue_dma source(%dma_start3A_742 : memref<1000xi32, #tpu.memory_space<hbm>>) target(%dma_start3A_738 : memref<1000xi32, #tpu.memory_space<vmem>>) target_semaphore(%arg11 : memref<!tpu.dma_semaphore, #tpu.memory_space<semaphore_mem>>)
        %mul3A_743 = arith.constant 1000 : i32
        %mul3A_744 = arith.muli %add3A_724, %mul3A_743 : i32
        %add3A_745 = arith.addi %mul3A_2, %mul3A_744 : i32
        %dma_start3A_746 = arith.constant 1 : i32
        %dma_start3A_747 = arith.constant 0 : i32
        %dma_start3A_748 = arith.constant 0 : i32
        %dma_start3A_749 = tpu.memref_slice %arg7[%dma_start3A_746, %dma_start3A_747, %dma_start3A_748] : memref<2x16x1000xf32, #tpu.memory_space<vmem>> -> memref<1x16x1000xf32, #tpu.memory_space<vmem>>
        %dma_start3A_750 = tpu.memref_squeeze %dma_start3A_749 : memref<1x16x1000xf32, #tpu.memory_space<vmem>> -> memref<16x1000xf32, #tpu.memory_space<vmem>>
        %dma_start3A_751 = arith.constant 0 : i32
        %dma_start3A_752 = tpu.memref_slice %arg3[%dma_start3A_751, %add3A_745] : memref<16x320000xf32, #tpu.memory_space<hbm>> -> memref<16x1000xf32, #tpu.memory_space<hbm>>
        %dma_start3A_753 = arith.constant 0 : i32
        %dma_start3A_754 = arith.constant 0 : i32
        %dma_start3A_755 = tpu.memref_slice %arg7[%dma_start3A_746, %dma_start3A_753, %dma_start3A_754] : memref<2x16x1000xf32, #tpu.memory_space<vmem>> -> memref<1x16x1000xf32, #tpu.memory_space<vmem>>
        %dma_start3A_756 = tpu.memref_squeeze %dma_start3A_755 : memref<1x16x1000xf32, #tpu.memory_space<vmem>> -> memref<16x1000xf32, #tpu.memory_space<vmem>>
        %dma_start3A_757 = arith.constant 0 : i32
        %dma_start3A_758 = tpu.memref_slice %arg3[%dma_start3A_757, %add3A_745] : memref<16x320000xf32, #tpu.memory_space<hbm>> -> memref<16x1000xf32, #tpu.memory_space<hbm>>
        tpu.enqueue_dma source(%dma_start3A_758 : memref<16x1000xf32, #tpu.memory_space<hbm>>) target(%dma_start3A_756 : memref<16x1000xf32, #tpu.memory_space<vmem>>) target_semaphore(%arg11 : memref<!tpu.dma_semaphore, #tpu.memory_space<semaphore_mem>>)
      } else {
      }
    }
    %scan3A_78 = arith.constant 5 : i32
    %barrier3A_79 = arith.constant 0 : index
    tpu.barrier barrier_id(%barrier3A_79)
    %mul3A_80 = arith.constant 624 : i32
    %mul3A_81 = arith.muli %arg1, %mul3A_80 : i32
    %mul3A_82 = arith.constant 624 : i32
    %mul3A_83 = arith.muli %arg1, %mul3A_82 : i32
    "tpu.region"() ({
      %run_scoped3A = tpu.sem_alloc : memref<!tpu.dma_semaphore, #tpu.memory_space<semaphore_mem>>
      %dma_start3A_89 = arith.constant 0 : i32
      %dma_start3A_90 = arith.constant 0 : i32
      %dma_start3A_91 = tpu.memref_slice %arg5[%arg0, %dma_start3A_89, %dma_start3A_90] : memref<2x10000x16xf32, #tpu.memory_space<hbm>> -> memref<1x10000x16xf32, #tpu.memory_space<hbm>>
      %dma_start3A_92 = tpu.memref_squeeze %dma_start3A_91 : memref<1x10000x16xf32, #tpu.memory_space<hbm>> -> memref<10000x16xf32, #tpu.memory_space<hbm>>
      %dma_start3A_93 = arith.constant 0 : i32
      %dma_start3A_94 = tpu.memref_slice %dma_start3A_92[%mul3A_83, %dma_start3A_93] : memref<10000x16xf32, #tpu.memory_space<hbm>> -> memref<624x16xf32, #tpu.memory_space<hbm>>
      %dma_start3A_95 = arith.constant 0 : i32
      %dma_start3A_96 = tpu.memref_slice %arg9[%mul3A_81, %dma_start3A_95] : memref<10000x16xf32, #tpu.memory_space<vmem_shared>> -> memref<624x16xf32, #tpu.memory_space<vmem_shared>>
      tpu.enqueue_dma source(%dma_start3A_96 : memref<624x16xf32, #tpu.memory_space<vmem_shared>>) target(%dma_start3A_94 : memref<624x16xf32, #tpu.memory_space<hbm>>) target_semaphore(%run_scoped3A : memref<!tpu.dma_semaphore, #tpu.memory_space<semaphore_mem>>)
      %dma_wait3A = arith.constant 0 : i32
      %dma_wait3A_97 = arith.constant 0 : i32
      %dma_wait3A_98 = tpu.memref_slice %arg5[%arg0, %dma_wait3A, %dma_wait3A_97] : memref<2x10000x16xf32, #tpu.memory_space<hbm>> -> memref<1x10000x16xf32, #tpu.memory_space<hbm>>
      %dma_wait3A_99 = tpu.memref_squeeze %dma_wait3A_98 : memref<1x10000x16xf32, #tpu.memory_space<hbm>> -> memref<10000x16xf32, #tpu.memory_space<hbm>>
      %dma_wait3A_100 = arith.constant 0 : i32
      %dma_wait3A_101 = tpu.memref_slice %dma_wait3A_99[%mul3A_83, %dma_wait3A_100] : memref<10000x16xf32, #tpu.memory_space<hbm>> -> memref<624x16xf32, #tpu.memory_space<hbm>>
      %dma_wait3A_102 = arith.constant 0 : i32
      %dma_wait3A_103 = tpu.memref_slice %arg9[%mul3A_81, %dma_wait3A_102] : memref<10000x16xf32, #tpu.memory_space<vmem_shared>> -> memref<624x16xf32, #tpu.memory_space<vmem_shared>>
      tpu.wait_dma2 semaphore(%run_scoped3A : memref<!tpu.dma_semaphore, #tpu.memory_space<semaphore_mem>>) src(%dma_wait3A_103 : memref<624x16xf32, #tpu.memory_space<vmem_shared>>) dst(%dma_wait3A_101 : memref<624x16xf32, #tpu.memory_space<hbm>>)
      tpu.yield
    }) : () -> ()
    %eq3A_84 = arith.constant 15 : i32
    %eq3A_85 = arith.cmpi eq, %arg1, %eq3A_84 : i32
    %convert_element_type3A_86 = arith.extui %eq3A_85 : i1 to i32
    %cond3A_87 = arith.constant 0 : i32
    %cond3A_88 = arith.cmpi ne, %convert_element_type3A_86, %cond3A_87 : i32
    scf.if %cond3A_88 {
      "tpu.region"() ({
        %run_scoped3A = tpu.sem_alloc : memref<!tpu.dma_semaphore, #tpu.memory_space<semaphore_mem>>
        %dma_start3A_89 = arith.constant 0 : i32
        %dma_start3A_90 = arith.constant 0 : i32
        %dma_start3A_91 = tpu.memref_slice %arg5[%arg0, %dma_start3A_89, %dma_start3A_90] : memref<2x10000x16xf32, #tpu.memory_space<hbm>> -> memref<1x10000x16xf32, #tpu.memory_space<hbm>>
        %dma_start3A_92 = tpu.memref_squeeze %dma_start3A_91 : memref<1x10000x16xf32, #tpu.memory_space<hbm>> -> memref<10000x16xf32, #tpu.memory_space<hbm>>
        %dma_start3A_93 = arith.constant 9984 : i32
        %dma_start3A_94 = arith.constant 0 : i32
        %dma_start3A_95 = tpu.memref_slice %dma_start3A_92[%dma_start3A_93, %dma_start3A_94] : memref<10000x16xf32, #tpu.memory_space<hbm>> -> memref<16x16xf32, #tpu.memory_space<hbm>>
        %dma_start3A_96 = arith.constant 9984 : i32
        %dma_start3A_97 = arith.constant 0 : i32
        %dma_start3A_98 = tpu.memref_slice %arg9[%dma_start3A_96, %dma_start3A_97] : memref<10000x16xf32, #tpu.memory_space<vmem_shared>> -> memref<16x16xf32, #tpu.memory_space<vmem_shared>>
        tpu.enqueue_dma source(%dma_start3A_98 : memref<16x16xf32, #tpu.memory_space<vmem_shared>>) target(%dma_start3A_95 : memref<16x16xf32, #tpu.memory_space<hbm>>) target_semaphore(%run_scoped3A : memref<!tpu.dma_semaphore, #tpu.memory_space<semaphore_mem>>)
        %dma_wait3A = arith.constant 0 : i32
        %dma_wait3A_99 = arith.constant 0 : i32
        %dma_wait3A_100 = tpu.memref_slice %arg5[%arg0, %dma_wait3A, %dma_wait3A_99] : memref<2x10000x16xf32, #tpu.memory_space<hbm>> -> memref<1x10000x16xf32, #tpu.memory_space<hbm>>
        %dma_wait3A_101 = tpu.memref_squeeze %dma_wait3A_100 : memref<1x10000x16xf32, #tpu.memory_space<hbm>> -> memref<10000x16xf32, #tpu.memory_space<hbm>>
        %dma_wait3A_102 = arith.constant 9984 : i32
        %dma_wait3A_103 = arith.constant 0 : i32
        %dma_wait3A_104 = tpu.memref_slice %dma_wait3A_101[%dma_wait3A_102, %dma_wait3A_103] : memref<10000x16xf32, #tpu.memory_space<hbm>> -> memref<16x16xf32, #tpu.memory_space<hbm>>
        %dma_wait3A_105 = arith.constant 9984 : i32
        %dma_wait3A_106 = arith.constant 0 : i32
        %dma_wait3A_107 = tpu.memref_slice %arg9[%dma_wait3A_105, %dma_wait3A_106] : memref<10000x16xf32, #tpu.memory_space<vmem_shared>> -> memref<16x16xf32, #tpu.memory_space<vmem_shared>>
        tpu.wait_dma2 semaphore(%run_scoped3A : memref<!tpu.dma_semaphore, #tpu.memory_space<semaphore_mem>>) src(%dma_wait3A_107 : memref<16x16xf32, #tpu.memory_space<vmem_shared>>) dst(%dma_wait3A_104 : memref<16x16xf32, #tpu.memory_space<hbm>>)
        tpu.yield
      }) : () -> ()
    } else {
    }
    return
  }
}

module attributes {stable_mosaic.version = 14 : i64} {
  func.func @_mlp_body(%arg0: i32, %arg1: memref<2000x128xf32, #tpu.memory_space<vmem>>, %arg2: memref<2x2000x16xf32, #tpu.memory_space<vmem>>, %arg3: memref<128x128xf32, #tpu.memory_space<vmem>>, %arg4: memref<16x128xf32, #tpu.memory_space<vmem>>, %arg5: memref<1x128xf32, #tpu.memory_space<vmem>>, %arg6: memref<2000x128xf32, #tpu.memory_space<vmem>>) attributes {dimension_semantics = [#tpu.dimension_semantics<arbitrary>], iteration_bounds = array<i64: 5>, scalar_prefetch = 0 : i64, scratch_operands = 0 : i64, tpu.core_type = #tpu.core_type<tc>, window_params = [{transform_indices = @transform_0, window_bounds = array<i64: 2000, 128>}, {transform_indices = @transform_1, window_bounds = array<i64: 2, 2000, 16>}, {pipeline_mode = #tpu.pipeline_mode<synchronous>, transform_indices = @transform_2, window_bounds = array<i64: 128, 128>}, {pipeline_mode = #tpu.pipeline_mode<synchronous>, transform_indices = @transform_3, window_bounds = array<i64: 16, 128>}, {pipeline_mode = #tpu.pipeline_mode<synchronous>, transform_indices = @transform_4, window_bounds = array<i64: 1, 128>}, {transform_indices = @transform_5, window_bounds = array<i64: 2000, 128>}]} {
    %get3A = arith.constant 0 : index
    %get3A_0 = arith.constant 0 : index
    %get3A_1 = arith.constant 0 : index
    %get3A_2 = vector.load %arg2[%get3A, %get3A_0, %get3A_1] : memref<2x2000x16xf32, #tpu.memory_space<vmem>>, vector<1x2000x16xf32>
    %get3A_3 = vector.shape_cast %get3A_2 : vector<1x2000x16xf32> to vector<2000x16xf32>
    %get3A_4 = arith.constant 1 : index
    %get3A_5 = arith.constant 0 : index
    %get3A_6 = arith.constant 0 : index
    %get3A_7 = vector.load %arg2[%get3A_4, %get3A_5, %get3A_6] : memref<2x2000x16xf32, #tpu.memory_space<vmem>>, vector<1x2000x16xf32>
    %get3A_8 = vector.shape_cast %get3A_7 : vector<1x2000x16xf32> to vector<2000x16xf32>
    %add3A = arith.addf %get3A_3, %get3A_8 : vector<2000x16xf32>
    %get3A_9 = arith.constant 0 : index
    %get3A_10 = arith.constant 0 : index
    %get3A_11 = vector.load %arg1[%get3A_9, %get3A_10] : memref<2000x128xf32, #tpu.memory_space<vmem>>, vector<2000x128xf32>
    %get3A_12 = arith.constant 0 : index
    %get3A_13 = arith.constant 0 : index
    %get3A_14 = vector.load %arg3[%get3A_12, %get3A_13] : memref<128x128xf32, #tpu.memory_space<vmem>>, vector<128x128xf32>
    %dot_general3A = arith.constant dense<0.000000e+00> : vector<2000x128xf32>
    %dot_general3A_15 = tpu.matmul %get3A_11, %get3A_14, %dot_general3A {dimension_numbers = #tpu.dot_dimension_numbers<[1], [0], [0], [1], [0, 0, 1, 1], [], []>, transpose_lhs_hint = false} : vector<2000x128xf32>, vector<128x128xf32>, vector<2000x128xf32> -> vector<2000x128xf32>
    %get3A_16 = arith.constant 0 : index
    %get3A_17 = arith.constant 0 : index
    %get3A_18 = vector.load %arg4[%get3A_16, %get3A_17] : memref<16x128xf32, #tpu.memory_space<vmem>>, vector<16x128xf32>
    %dot_general3A_19 = arith.constant dense<0.000000e+00> : vector<2000x128xf32>
    %dot_general3A_20 = tpu.matmul %add3A, %get3A_18, %dot_general3A_19 {dimension_numbers = #tpu.dot_dimension_numbers<[1], [0], [0], [1], [0, 0, 1, 1], [], []>, transpose_lhs_hint = false} : vector<2000x16xf32>, vector<16x128xf32>, vector<2000x128xf32> -> vector<2000x128xf32>
    %add3A_21 = arith.addf %dot_general3A_15, %dot_general3A_20 : vector<2000x128xf32>
    %get3A_22 = arith.constant 0 : index
    %get3A_23 = arith.constant 0 : index
    %get3A_24 = vector.load %arg5[%get3A_22, %get3A_23] : memref<1x128xf32, #tpu.memory_space<vmem>>, vector<1x128xf32>
    %add3A_25 = vector.broadcast %get3A_24 : vector<1x128xf32> to vector<2000x128xf32>
    %add3A_26 = arith.addf %add3A_21, %add3A_25 : vector<2000x128xf32>
    %swap3A = arith.constant 0 : index
    %swap3A_27 = arith.constant 0 : index
    %swap3A_28 = vector.load %arg6[%swap3A, %swap3A_27] : memref<2000x128xf32, #tpu.memory_space<vmem>>, vector<2000x128xf32>
    tpu.vector_store %arg6[%swap3A, %swap3A_27], %add3A_26 {strides = array<i32>} : memref<2000x128xf32, #tpu.memory_space<vmem>>, vector<2000x128xf32>,
    return
  }
  func.func @transform_0(%arg0: i32) -> (i32, i32) {
    %c0_i32 = arith.constant 0 : i32
    %c0_i32_0 = arith.constant 0 : i32
    return %arg0, %c0_i32 : i32, i32
  }
  func.func @transform_1(%arg0: i32) -> (i32, i32, i32) {
    %c0_i32 = arith.constant 0 : i32
    %c0_i32_0 = arith.constant 0 : i32
    %c0_i32_1 = arith.constant 0 : i32
    return %c0_i32, %arg0, %c0_i32_0 : i32, i32, i32
  }
  func.func @transform_2(%arg0: i32) -> (i32, i32) {
    %c0_i32 = arith.constant 0 : i32
    %c0_i32_0 = arith.constant 0 : i32
    %c0_i32_1 = arith.constant 0 : i32
    return %c0_i32, %c0_i32_0 : i32, i32
  }
  func.func @transform_3(%arg0: i32) -> (i32, i32) {
    %c0_i32 = arith.constant 0 : i32
    %c0_i32_0 = arith.constant 0 : i32
    %c0_i32_1 = arith.constant 0 : i32
    return %c0_i32, %c0_i32_0 : i32, i32
  }
  func.func @transform_4(%arg0: i32) -> (i32, i32) {
    %c0_i32 = arith.constant 0 : i32
    %c0_i32_0 = arith.constant 0 : i32
    %c0_i32_1 = arith.constant 0 : i32
    return %c0_i32, %c0_i32_0 : i32, i32
  }
  func.func @transform_5(%arg0: i32) -> (i32, i32) {
    %c0_i32 = arith.constant 0 : i32
    %c0_i32_0 = arith.constant 0 : i32
    return %arg0, %c0_i32 : i32, i32
  }
}

</mosaic_0001>

<sc_bundles>
// kernel: kernel.4.cloned.1.call-start
scs
__scs_entry_jumppad:
0x0: {  	(pc) =	sbr.rel $0x88, $3  }
0x1: {  	(tag) =	ssettag $0x0;
	lr =	simm.s32 $0x1  }
0x2: {  	[smem:$0x3F9B] =	sst lr;
	_ =	strace $0xD0000000  }
0x3: {  	_ = 	snop  }
0x4: {  	_ = 	snop  }
0x5: {  	_ = 	snop  }
0x6: {  	_ = 	snop  }
0x7: {  	_ = 	snop  }
__scs_overlays_trampoline_lowered:
0x8: {  	[smem:$0x3FAA] =	sst s0  }
0x9: {  	[smem:$0x3FAB] =	sst s1  }
0xa: {  	[smem:$0x3FAC] =	sst s2  }
0xb: {  	[smem:$0x3FAD] =	sst s3  }
0xc: {  	[smem:$0x3FAE] =	sst s4  }
0xd: {  	[smem:$0x3FAF] =	sst s5  }
0xe: {  	[smem:$0x3FB0] =	sst s6  }
0xf: {  	[smem:$0x3FB1] =	sst s7  }
0x10: {  	[smem:$0x3FB2] =	sst s8  }
0x11: {  	[smem:$0x3FB3] =	sst s9;
	s0 =	simm.s32 @!p0 $0x0  }
0x12: {  	s1 =	sld [smem:$0x3F99];
	s0 =	simm.s32 @p0 $0x1  }
0x13: {  	[smem:$0x3FB4] =	sst s0;
	s0 =	simm.s32 @!p1 $0x0  }
0x14: {  	s2 =	sld [smem:$0x3F98];
	s0 =	simm.s32 @p1 $0x1  }
0x15: {  	[smem:$0x3FB5] =	sst s0;
	s0 =	simm.s32 @!p2 $0x0  }
0x16: {  	s3 =	sld [smem:$0x3FDB];
	s0 =	simm.s32 @p2 $0x1  }
0x17: {  	s4 =	simm.s32 $0x1BF5;
	[smem:$0x3FB7] =	sst s0  }
0x18: {  	s0 =	sld [smem:$0x3F9A];
	_ =	swait.ge [sflag:s4], $0x0  }
0x19: {  	s7 =	sld [smem:$0x3F9B]  }
0x1a: {  	s8 =	sadd.s32 $0xFFFFE003, lr  }
0x1b: {  	s9 =	sadd.s32 $0xFFFFFEF7, lr;
	s5 =	simm.s32 $0xFFFFFFFF;
	p2 =	slt.u32 s8, $0xFFFFF086  }
0x1c: {  	p1 =	slt.u32 s9, $0xF7A;
	s5 =	simm.s32 @!p2 $0x0  }
0x1d: {  	s5 =	simm.s32 @p1 $0x1;
	p0 =	seq.s32 s7, s2  }
0x1e: {  	s7 =	smul.u32 @!p0 $0xF7A, s2;
	p2 =	seq.s32 @!p0 s5, $0x0  }
0x1f: {  	s9 =	smul.u32 $0xF7A, s1;
	s8 =	simm.s32 @!p0 $0x1BF5;
	p2 =	por !p2, p0  }
0x20: {  	[sflag:s8] =	ssyncset.s32 @!p0 $0xFFFFF086;
	s6 =	sadd.s32 @!p0 s3, s7;
	s7 =	simm.s32 @!p0 $0x108  }
0x21: {  	s3 =	sadd.s32 s3, s9;
	s6 =	sadd.s32 @!p0 $0x88, s6;
	s7 =	simm.s32 @p2 $0x1082  }
0x22: {  	[simem:s7], [sflag:s8] =	dma.local @!p0 [hbm:s6], $0xF7A  }
0x23: {  	s9 =	sor.u32 $0xD0000000, s2;
	s6 =	simm.s32 $0x108;
	_ =	swait.ge @!p0 [sflag:s8], $0x0  }
0x24: {  	s3 =	sadd.s32 $0x88, s3;
	s6 =	simm.s32 @!p1 $0x1082;
	[sflag:s4] =	ssyncset.s32 $0xFFFFF086  }
0x25: {  	[simem:s6], [sflag:s4] =	dma.local [hbm:s3], $0xF7A  }
0x26: {  	[smem:$0x3F9B] =	sst s1;
	(tag) =	ssettag s2;
	_ =	strace s9  }
0x27: {  	s1 =	sld [smem:$0x3FAB]  }
0x28: {  	s2 =	sld [smem:$0x3FAC]  }
0x29: {  	s4 =	sld [smem:$0x3FAE]  }
0x2a: {  	p0 =	seq.s32 s5, $0x0;
	s5 =	sld [smem:$0x3FAF]  }
0x2b: {  	s6 =	sld [smem:$0x3FB0]  }
0x2c: {  	s7 =	sld [smem:$0x3FB1]  }
0x2d: {  	s3 =	simm.s32 $0x108;
	s8 =	sld [smem:$0x3FB2]  }
0x2e: {  	s3 =	simm.s32 @!p0 $0x1082;
	s9 =	sld [smem:$0x3FB3]  }
0x2f: {  	lr =	sadd.s32 s0, s3;
	s0 =	sld [smem:$0x3FAA]  }
0x30: {  	s3 =	sld [smem:$0x3FAD]  }
0x31: {  	[smem:$0x3FB6] =	sst s10  }
0x32: {  	s10 =	sld [smem:$0x3FB4];
	_ =	sdelay $0x3  }
0x33: {  	p0 =	seq.s32 s10, $0x1;
	s10 =	sld [smem:$0x3FB6];
	_ =	sdelay $0x3  }
0x34: {  	[smem:$0x3FB6] =	sst s10  }
0x35: {  	s10 =	sld [smem:$0x3FB5];
	_ =	sdelay $0x3  }
0x36: {  	p1 =	seq.s32 s10, $0x1;
	s10 =	sld [smem:$0x3FB6];
	_ =	sdelay $0x3  }
0x37: {  	[smem:$0x3FB6] =	sst s10  }
0x38: {  	s10 =	sld [smem:$0x3FB7]  }
0x39: {  	_ = 	snop;
	(pc) =	sbr.ind lr, $3  }
0x3a: {  	_ = 	snop  }
0x3b: {  	_ = 	snop  }
0x3c: {  	p2 =	seq.s32 s10, $0x1;
	s10 =	sld [smem:$0x3FB6]  }
0x3d: {  	_ =	shalt  }
0x3e: {  	_ =	shalt  }
0x3f: {  	_ =	shalt  }
0x40: {  	_ =	shalt  }
0x41: {  	_ =	shalt  }
0x42: {  	_ =	shalt  }
0x43: {  	_ =	shalt  }
0x44: {  	_ =	shalt  }
0x45: {  	_ =	shalt  }
0x46: {  	_ =	shalt  }
0x47: {  	_ =	shalt  }
0x48: {  	_ =	shalt  }
0x49: {  	_ =	shalt  }
0x4a: {  	_ =	shalt  }
0x4b: {  	_ =	shalt  }
0x4c: {  	_ =	shalt  }
0x4d: {  	_ =	shalt  }
0x4e: {  	_ =	shalt  }
0x4f: {  	_ =	shalt  }
0x50: {  	_ =	shalt  }
0x51: {  	_ =	shalt  }
0x52: {  	_ =	shalt  }
0x53: {  	_ =	shalt  }
0x54: {  	_ =	shalt  }
0x55: {  	_ =	shalt  }
0x56: {  	_ =	shalt  }
0x57: {  	_ =	shalt  }
0x58: {  	_ =	shalt  }
0x59: {  	_ =	shalt  }
0x5a: {  	_ =	shalt  }
0x5b: {  	_ =	shalt  }
0x5c: {  	_ =	shalt  }
0x5d: {  	_ =	shalt  }
0x5e: {  	_ =	shalt  }
0x5f: {  	_ =	shalt  }
0x60: {  	_ =	shalt  }
0x61: {  	_ =	shalt  }
0x62: {  	_ =	shalt  }
0x63: {  	_ =	shalt  }
0x64: {  	_ =	shalt  }
0x65: {  	_ =	shalt  }
0x66: {  	_ =	shalt  }
0x67: {  	_ =	shalt  }
0x68: {  	_ =	shalt  }
0x69: {  	_ =	shalt  }
0x6a: {  	_ =	shalt  }
0x6b: {  	_ =	shalt  }
0x6c: {  	_ =	shalt  }
0x6d: {  	_ =	shalt  }
0x6e: {  	_ =	shalt  }
0x6f: {  	_ =	shalt  }
0x70: {  	_ =	shalt  }
0x71: {  	_ =	shalt  }
0x72: {  	_ =	shalt  }
0x73: {  	_ =	shalt  }
0x74: {  	_ =	shalt  }
0x75: {  	_ =	shalt  }
0x76: {  	_ =	shalt  }
0x77: {  	_ =	shalt  }
0x78: {  	_ =	shalt  }
0x79: {  	_ =	shalt  }
0x7a: {  	_ =	shalt  }
0x7b: {  	_ =	shalt  }
0x7c: {  	_ =	shalt  }
0x7d: {  	_ =	shalt  }
0x7e: {  	_ =	shalt  }
0x7f: {  	_ =	shalt  }
0x80: {  	_ =	shalt  }
0x81: {  	_ =	shalt  }
0x82: {  	_ =	shalt  }
0x83: {  	_ =	shalt  }
0x84: {  	_ =	shalt  }
0x85: {  	_ =	shalt  }
0x86: {  	_ =	shalt  }
0x87: {  	_ =	shalt  }
.Lfunc_end0:
.L_simem_size_0:
called_computation_lowered:
.L_overlay_start_0:
0x88: {  	s2 =	sld [smem:$0x3FD9]  }
0x89: {  	s3 =	sld [smem:$0x3FFE];
	_ =	sdelay $0x1  }
0x8a: {  	s1 =	srdreg.scid  }
0x8b: {  	s0 =	sand.u32 $0x1, s1  }
0x8c: {  	s14 =	sshll.u32 s0, $0xA;
	s2 =	sadd.s32 s3, s2  }
0x8d: {  	s2 =	sadd.s32 s2, s14  }
0x8e: {  	[smem:$0x3FC2] =	sst s2  }
0x8f: {  	_ = 	snop  }
0x90: {  	s2 =	sld [smem:$0x3FD0];
	_ =	sdelay $0x2  }
0x91: {  	s15 =	simm.s32 $0xA;
	s4 =	simm.s32 $0x10  }
0x92: {  	[smem:s4], [sflag:s15] =	dma.local [hbm:s2], $0x1  }
0x93: {  	_ =	swait.eq [sflag:s15], $0x1  }
0x94: {  	s16 =	sld [smem:$0x10];
	[sflag:s15] =	ssyncset.done $0x0  }
0x95: {  	s17 =	sld [smem:$0x11];
	[sflag:s15] =	ssyncadd.s32 $0xFFFFFFFF  }
0x96: {  	s18 =	sld [smem:$0x12];
	(tm) =	ssettm $0x1  }
0x97: {  	s5 =	sld [smem:$0x3FFB];
	_ =	sdelay $0x3  }
0x98: {  	_ =	strace s5  }
0x99: {  	s5 =	sld [smem:$0x3FFC];
	_ =	sdelay $0x3  }
0x9a: {  	_ =	strace s5  }
0x9b: {  	s5 =	sld [smem:$0x3FFD];
	_ =	sdelay $0x3  }
0x9c: {  	_ =	strace s5  }
0x9d: {  	_ =	strace $0x8FFFFFFF  }
0x9e: {  	s19 =	sld [smem:$0x3FDB];
	_ =	sdelay $0x1  }
0x9f: {  	s6 =	simm.s32 $_scs_section_size  }
0xa0: {  	s7 =	simm.s32 $_size__tile_overlayer_lowered;
	s8 =	simm.s32 $_tile_overlayer_lowered  }
0xa1: {  	s22 =	simm.s32 $0x1BFF;
	s21 =	sshll.u32 s8, $0x1;
	s5 =	sadd.s32 s6, s19  }
0xa2: {  	s9 =	simm.s32 $0x0;
	s20 =	sshll.u32 s7, $0x1;
	s7 =	sadd.s32 s21, s5  }
0xa3: {  	[timem:s9], [sflag:s22] =	dma.local [hbm:s7], s20  }
0xa4: {  	_ =	swait.ge [sflag:s22], s20  }
0xa5: {  	s6 =	ssub.s32 $0x0, s20;
	[sflag:s22] =	ssyncset.done $0x0  }
0xa6: {  	[sflag:s22] =	ssyncadd.s32 s6;
	_ =	sdelay $0x1  }
0xa7: {  	s23 =	simm.s32 $0x1B8B  }
0xa8: {  	_ =	swait.ge [sflag:s23], $0x1  }
0xa9: {  	[sflag:s23] =	ssyncset.done $0x0  }
0xaa: {  	s25 =	simm.s32 $0x1B8E;
	s24 =	sld [smem:$0x3FFE];
	[sflag:s23] =	ssyncadd.s32 $0xFFFFFFFF  }
0xab: {  	s26 =	simm.s32 $execute0_lowered;
	[smem:$0x3FD2] =	sst s25  }
0xac: {  	s7 =	sshll.u32 s26, $0x1;
	_ =	strace $0x80000046;
	[dreg:$0x1] =	wrdreg $0xFFFFFFFF  }
0xad: {  	s28 =	simm.s32 $_size_execute0_lowered;
	s5 =	sadd.s32 s5, s7;
	[dreg:$0x0] =	wrdreg $0x0  }
0xae: {  	s7 =	sshll.u32 s28, $0x1;
	[dreg:$0x2] =	wrdreg s5  }
0xaf: {  	[dreg:$0x3] =	wrdreg s7  }
0xb0: {  	[dreg:$0x4] =	wrdreg $0xC0  }
0xb1: {  	_ =	task [dreg:s9], $0x5FFFF  }
0xb2: {  	[dreg:$0x1] =	wrdreg $0xFFFFFFFF  }
0xb3: {  	[dreg:$0x0] =	wrdreg $0x60  }
0xb4: {  	[dreg:$0x2] =	wrdreg s18  }
0xb5: {  	[dreg:$0x3] =	wrdreg s17  }
0xb6: {  	[dreg:$0x4] =	wrdreg s24  }
0xb7: {  	[dreg:$0x5] =	wrdreg s16  }
0xb8: {  	[dreg:$0x6] =	wrdreg $0x101D00  }
0xb9: {  	[dreg:$0x7] =	wrdreg $0x9  }
0xba: {  	_ =	task.clear_ibuf [dreg:s9], $0x8FFFF;
	_ =	strace $0x90000046  }
0xbb: {  	s29 =	simm.s32 $0x9;
	_ =	strace $0x80000048  }
0xbc: {  	_ =	swait.ge [sflag:s29], $0x1  }
0xbd: {  	[sflag:s29] =	ssyncadd.s32 $0xFFFFFFFF  }
0xbe: {  	_ =	strace $0x90000048  }
0xbf: {  	_ =	sfence  }
0xc0: {  	s30 =	sld [smem:$0x0];
	_ =	sdelay $0x2  }
0xc1: {  	s31 =	sshll.u32 s1, $0xD;
	s1 =	sshrl.u32 s1, $0x2  }
0xc2: {  	s3 =	sand.u32 $0x4000, s31;
	s1 =	sadd.s32 s1, s30  }
0xc3: {  	s0 =	sor.u32 s3, s0;
	s1 =	sshll.u32 s1, $0x11  }
0xc4: {  	s0 =	sor.u32 s1, s0  }
0xc5: {  	s0 =	sadd.s32 $0x8F2B, s0  }
0xc6: {  	[sflag:s0] =	ssyncadd.remote.s32 $0x1  }
0xc7: {  	_ =	sfence.sel $0xFFFF  }
0xc8: {  	[dreg:$0x0] =	wrdreg $0xFFFFFFFF;
	(pc) =	sbr.abs _section_cstart, $3  }
0xc9: {  	[dreg:$0x1] =	wrdreg $0xFFFFFFFF  }
0xca: {  	_ =	task.clear_ibuf [dreg:s9], $0x2FFFF;
	_ =	strace $0x9FFFFFFF  }
0xcb: {  	(tm) =	ssettm $0x7FFFFFFF  }
tec
execute0_lowered:
.L_overlay_start_1:
0x0: {  	(tag) =	ssettag $0x1  }
0x1: {  	s0 =	rddreg [dreg:$0x0]  }
0x2: {  	s1 =	rddreg [dreg:$0x1]  }
0x3: {  	s2 =	rddreg [dreg:$0x2]  }
0x4: {  	s4 =	rddreg [dreg:$0x3]  }
0x5: {  	s3 =	rddreg [dreg:$0x4]  }
0x6: {  	s5 =	srdreg.scid;
	s12 =	stileid.u32;
	s8 =	simm.s32 $0x0  }
0x7: {  	s14 =	simm.s32 $0x68;
	s31 =	simm.s32 $0xDB50;
	s15 =	simm.s32 $0x0  }
0x8: {  	s29 =	simm.s32 $0x0;
	s30 =	simm.s32 $0x4E200;
	s5 =	sand.u32 $0x1, s5  }
0x9: {  	s7 =	smul.u32 $0x2700, s12;
	[smem:$0x7FF] =	sst s8;
	s23 =	sshll.u32 s12, $0x6  }
0xa: {  	s24 =	sadd.s32 $0x27000, s3;
	s25 =	sadd.s32 $0x6200, s2;
	p0 =	sne.s32 s12, $0xF  }
0xb: {  	s6 =	sshll.u32 s5, $0x4;
	_ =	strace $0x80000047;
	[dreg:$0xe] =	wrdreg s24  }
0xc: {  	s17 =	ssub.s32 $0x2, s5;
	s5 =	smul.u32 $0x4E20, s5;
	[dreg:$0xf] =	wrdreg s25  }
0xd: {  	s25 =	simm.s32 $0x1;
	s6 =	sor.u32 s12, s6;
	s11 =	sshrl.u32 s7, $0x3  }
0xe: {  	s9 =	sshrl.u32 s17, $0x1;
	s21 =	sadd.s32 s7, s3;
	s7 =	simm.s32 $0x668  }
0xf: {  	s12 =	simm.s32 $0xFB50;
	s10 =	smul.u32 $0x2710, s6;
	[dreg:$0x6] =	wrdreg s11  }
0x10: {  	s11 =	sadd.s32 s11, s2;
	s8 =	ssub.s32 s17, s9;
	s6 =	sadd.s32 $0x9C40, s0  }
0x11: {  	[dreg:$0xb] =	wrdreg s21;
	s26 =	sadd.s32 s4, s5;
	s21 =	simm.s32 $0x4  }
0x12: {  	s2 =	simm.s32 $0xE350;
	s22 =	sadd.s32 $0x1400, s11;
	[dreg:$0x10] =	wrdreg s26  }
0x13: {  	s28 =	smax.u32 s8, $0x1;
	s26 =	simm.s32 $0x80;
	s8 =	simm.s32 $0xEB50  }
0x14: {  	s11 =	simm.s32 $0x768;
	s18 =	sshrl.u32 s10, $0x3;
	s19 =	sadd.s32 $0x3E8, s10  }
0x15: {  	[dreg:$0xc] =	wrdreg s22;
	s16 =	sadd.s32 $0x7D0, s10;
	s17 =	sadd.s32 $0xBB8, s10  }
0x16: {  	[dreg:$0x11] =	wrdreg s28;
	s22 =	simm.s32 $0x7D0;
	s10 =	simm.s32 $0xF350  }
0x17: {  	v0 =	vlaneseq.u32;
	s13 =	sadd.s32 s18, s6;
	s0 =	sadd.s32 s1, s18;
	s20 =	sshrl.u32 s19, $0x3  }
.Ltmp0:
0x18: {  	v0 =	vmul.u32 $0x3E8, v0;
	s19 =	simm.s32 $0x2;
	[dreg:$0x7] =	wrdreg s13;
	(pc) =	sbr.rel .LBB2_1-.Ltmp0, $4  }
0x19: {  	v1 =	vimm.s32 $0x0;
	vm0 =	vcmask $0x300;
	s18 =	simm.s32 $0x3;
	[dreg:$0x8] =	wrdreg s0;
	s9 =	sadd.s32 s20, s6  }
0x1a: {  	v1 =	vsel vm0, $0x3, v1;
	v2 =	vor.u32 $0x1, v0;
	s0 =	sadd.s32 s1, s20;
	s13 =	sor.u32 $0x1C04, s23;
	[dreg:$0x9] =	wrdreg s9  }
0x1b: {  	v3 =	vor.u32 $0x2, v0;
	v4 =	vor.u32 $0x3, v0;
	v5 =	vor.u32 $0x4, v0;
	s20 =	simm.s32 $0x3E8;
	s23 =	simm.s32 $0x4650;
	[dreg:$0xa] =	wrdreg s0  }
0x1c: {  	v6 =	vor.u32 $0x5, v0;
	v7 =	vor.u32 $0x6, v0;
	v8 =	vor.u32 $0x7, v0;
	s0 =	simm.s32 $0x5E8;
	s9 =	simm.s32 $0x6E8;
	[dreg:$0xd] =	wrdreg s13  }
.LBB2_8:
0x1d: {  	[bflag:$0x0] =	sbarrier.arrive $0xFFFF  }
0x1e: {  	s4 =	rddreg [dreg:$0x6]  }
0x1f: {  	s5 =	rddreg [dreg:$0x10]  }
0x20: {  	s13 =	rddreg [dreg:$0xd]  }
0x21: {  	s21 =	simm.s32 $0x4;
	s15 =	rddreg [dreg:$0x13];
	s4 =	sadd.s32 s4, s5  }
0x22: {  	[hbm:s4], [sflag:s13] =	dma.local [spmem:s15], $0x4E0  }
0x23: {  	_ =	swait.ge [sflag:s21], $0x4E0  }
0x24: {  	[sflag:s21] =	ssyncset.done $0x0  }
0x25: {  	s4 =	sadd.s32 @!p0 $0x4E00, s5;
	s5 =	rddreg [dreg:$0x14];
	[sflag:s21] =	ssyncadd.s32 $0xFFFFFB20  }
0x26: {  	[hbm:s4], [sflag:s13] =	dma.local @!p0 [spmem:s5], $0x20  }
0x27: {  	s4 =	simm.s32 @!p0 $0x4  }
0x28: {  	_ =	swait.ge @!p0 [sflag:s4], $0x20  }
0x29: {  	s24 =	rddreg [dreg:$0x12]  }
0x2a: {  	s28 =	rddreg [dreg:$0x11];
	s15 =	sadd.s32 $0x1, s24  }
0x2b: {  	p1 =	sne.s32 s15, s28  }
.Ltmp1:
0x2c: {  	_ = 	snop;
	(pc) =	sbr.rel @!p1 .LBB2_9-.Ltmp1, $3  }
0x2d: {  	_ =	sdelay $0x1  }
0x2e: {  	[sflag:s4] =	ssyncset.done @!p0 $0x0  }
0x2f: {  	[sflag:s4] =	ssyncadd.s32 @!p0 $0xFFFFFFE0  }
.LBB2_1:
0x30: {  	[dreg:$0x12] =	wrdreg s15  }
0x31: {  	s5 =	rddreg [dreg:$0x7]  }
0x32: {  	s4 =	simm.s32 $0x0;
	s15 =	rddreg [dreg:$0x8]  }
0x33: {  	[tilespmem:s4], [sflag:$0x1] =	stream.linear.gather [hbm4b:s5+s4], $0x3E8, $0x38;
	[tilespmem:$0x128E0] =	vst v63  }
0x34: {  	s24 =	simm.s32 $0x4E200;
	s28 =	rddreg [dreg:$0x9]  }
0x35: {  	[tilespmem:s22], [sflag:$0x1] =	stream.strided.gather [hbm4b:s15+s20], $0x3E80, s24, s20, $0x38;
	[tilespmem:$0x128E0] =	vst v63  }
0x36: {  	s5 =	rddreg [dreg:$0xa]  }
0x37: {  	[tilespmem:s20], [sflag:$0x2] =	stream.linear.gather [hbm4b:s28+s4], $0x3E8, $0x38;
	[tilespmem:$0x128E0] =	vst v63  }
0x38: {  	s15 =	rddreg [dreg:$0xb]  }
0x39: {  	[tilespmem:s23], [sflag:$0x2] =	stream.strided.gather [hbm4b:s5+s20], $0x3E80, s24, s20, $0x38;
	[tilespmem:$0x128E0] =	vst v63  }
0x3a: {  	s28 =	rddreg [dreg:$0xc];
	s24 =	sshrl.u32 s15, $0x3  }
0x3b: {  	[dreg:$0x13] =	wrdreg s24  }
0x3c: {  	[spmem:s24], [sflag:s13] =	dma.local [hbm:s28], $0x4E0  }
0x3d: {  	_ =	swait.ge [sflag:s21], $0x4E0  }
0x3e: {  	s4 =	rddreg [dreg:$0xe]  }
0x3f: {  	[sflag:s21] =	ssyncset.done $0x0;
	s5 =	sshrl.u32 @!p0 s4, $0x3;
	s4 =	rddreg [dreg:$0xf]  }
0x40: {  	[sflag:s21] =	ssyncadd.s32 $0xFFFFFB20;
	[dreg:$0x14] =	wrdreg s5  }
0x41: {  	[spmem:s5], [sflag:s13] =	dma.local @!p0 [hbm:s4], $0x20  }
0x42: {  	s4 =	simm.s32 @!p0 $0x4  }
0x43: {  	_ =	swait.ge @!p0 [sflag:s4], $0x20  }
0x44: {  	[sflag:s4] =	ssyncset.done @!p0 $0x0  }
0x45: {  	[sflag:s4] =	ssyncadd.s32 @!p0 $0xFFFFFFE0  }
0x46: {  	s15 =	simm.s32 $0x0;
	[bflag:$0x0] =	sbarrier.arrive $0xFFFF  }
.LBB2_2:
0x47: {  	s4 =	simm.s32 $0x0  }
0x48: {  	s24 =	simm.s32 $0x1;
	s5 =	simm.s32 $0x2;
	s28 =	simm.s32 $0x3;
	v9 =	vmov s4  }
0x49: {  	s13 =	simm.s32 $0x4;
	s21 =	simm.s32 $0x5;
	v10 =	vmov s24;
	v11 =	vmov s5;
	v12 =	vmov s28  }
0x4a: {  	v13 =	vmov s13;
	s13 =	simm.s32 $0x6;
	s24 =	simm.s32 $0x7;
	v14 =	vmov s21;
	v9 =	vshrl.u32 v9, $0x3  }
0x4b: {  	v15 =	vmov s13;
	v16 =	vmov s24;
	v10 =	vshrl.u32 v10, $0x3  }
0x4c: {  	s28 =	simm.s32 $0x8;
	s5 =	simm.s32 $0x9;
	v11 =	vshrl.u32 v11, $0x3;
	v12 =	vshrl.u32 v12, $0x3;
	v13 =	vshrl.u32 v13, $0x3  }
0x4d: {  	s21 =	simm.s32 $0xB;
	v14 =	vshrl.u32 v14, $0x3;
	v17 =	vmov s28;
	v18 =	vmov s5  }
0x4e: {  	v20 =	vmov s21;
	v16 =	vshrl.u32 v16, $0x3;
	v10 =	vshll.u32 v10, v1  }
0x4f: {  	v11 =	vshll.u32 v11, v1;
	v15 =	vshrl.u32 v15, $0x3;
	v12 =	vshll.u32 v12, v1  }
0x50: {  	v13 =	vshll.u32 v13, v1;
	v16 =	vshll.u32 v16, v1;
	v12 =	vbroadcast v12, $0x0  }
0x51: {  	_ =	swait.ge [sflag:s25], $0x3E8;
	v14 =	vshll.u32 v14, v1;
	v9 =	vshll.u32 v9, v1;
	v16 =	vbroadcast v16, $0x0  }
0x52: {  	[sflag:s25] =	ssyncset.done $0x0;
	s13 =	simm.s32 $0xA;
	v17 =	vshrl.u32 v17, $0x3;
	v10 =	vbroadcast v10, $0x0;
	v12 =	vadd.s32 v4, v12  }
0x53: {  	[sflag:s25] =	ssyncadd.s32 $0xFFFFFC18;
	s24 =	simm.s32 $0xC;
	v19 =	vmov s13;
	v11 =	vbroadcast v11, $0x0;
	v16 =	vadd.s32 v8, v16  }
0x54: {  	s28 =	simm.s32 $0xD;
	_ =	swait.ge [sflag:s25], $0x3E80;
	v21 =	vmov s24;
	v13 =	vbroadcast v13, $0x0;
	v10 =	vadd.s32 v2, v10  }
0x55: {  	s5 =	simm.s32 $0xF;
	v22 =	vmov s28;
	v14 =	vbroadcast v14, $0x0;
	[sflag:s25] =	ssyncset.done $0x0;
	v11 =	vadd.s32 v3, v11  }
0x56: {  	v23 =	vmov s5;
	v15 =	vshll.u32 v15, v1;
	[sflag:s25] =	ssyncadd.s32 $0xFFFFC180;
	v13 =	vadd.s32 v5, v13  }
0x57: {  	s13 =	simm.s32 $0xE;
	v18 =	vshrl.u32 v18, $0x3;
	v15 =	vbroadcast v15, $0x0;
	v14 =	vadd.s32 v6, v14;
	v12 =	vld.idx.msk [tilespmem:v12+s22+$0x0], $0xffff  }
0x58: {  	v20 =	vshrl.u32 v20, $0x3;
	v9 =	vbroadcast v9, $0x0;
	v24 =	vmov s13;
	v16 =	vld.idx.msk [tilespmem:v16+s22+$0x0], $0xffff  }
0x59: {  	v23 =	vshrl.u32 v23, $0x3;
	v18 =	vshll.u32 v18, v1;
	v15 =	vadd.s32 v7, v15;
	v10 =	vld.idx.msk [tilespmem:v10+s22+$0x0], $0xffff  }
0x5a: {  	v19 =	vshrl.u32 v19, $0x3;
	v18 =	vbroadcast v18, $0x0;
	v9 =	vadd.s32 v0, v9;
	v11 =	vld.idx.msk [tilespmem:v11+s22+$0x0], $0xffff  }
0x5b: {  	s5 =	simm.s32 $0x8510;
	v21 =	vshrl.u32 v21, $0x3;
	v22 =	vshrl.u32 v22, $0x3;
	v23 =	vshll.u32 v23, v1;
	v13 =	vld.idx.msk [tilespmem:v13+s22+$0x0], $0xffff  }
0x5c: {  	v19 =	vshll.u32 v19, v1;
	v23 =	vbroadcast v23, $0x0;
	v18 =	vadd.s32 v2, v18;
	v14 =	vld.idx.msk [tilespmem:v14+s22+$0x0], $0xffff;
	[tilespmem:s5+$0xFFFFFFF0] =	vst v12  }
0x5d: {  	v12 =	vshll.u32 v22, v1;
	[tilespmem:s5+$0x30] =	vst v16;
	v16 =	vbroadcast v19, $0x0;
	v19 =	vshll.u32 v20, v1  }
0x5e: {  	v15 =	vld.idx.msk [tilespmem:v15+s22+$0x0], $0xffff;
	[tilespmem:s5+$0xFFFFFFD0] =	vst v10;
	v20 =	vadd.s32 v8, v23;
	v10 =	vbroadcast v19, $0x0;
	v19 =	vshll.u32 v21, v1  }
0x5f: {  	v9 =	vld.idx.msk [tilespmem:v9+s22+$0x0], $0xffff;
	[tilespmem:s5+$0xFFFFFFE0] =	vst v11;
	v21 =	vshrl.u32 v24, $0x3;
	v23 =	vadd.s32 v3, v16;
	v11 =	vbroadcast v19, $0x0  }
0x60: {  	[tilespmem:s5+$0x0] =	vst v13;
	v12 =	vbroadcast v12, $0x0;
	v22 =	vadd.s32 v4, v10;
	v10 =	vshll.u32 v21, v1  }
0x61: {  	v13 =	vshll.u32 v17, v1;
	[tilespmem:s5+$0x10] =	vst v14;
	v16 =	vbroadcast v10, $0x0;
	v14 =	vadd.s32 v5, v11  }
0x62: {  	s24 =	simm.s32 $0x10;
	v17 =	vbroadcast v13, $0x0;
	v13 =	vadd.s32 v6, v12;
	v11 =	vld.idx.msk [tilespmem:v18+s22+$0x0], $0xffff  }
0x63: {  	s4 =	simm.s32 $0x17;
	s28 =	simm.s32 $0x11;
	[tilespmem:s5+$0x20] =	vst v15;
	v12 =	vmov s24;
	v10 =	vld.idx.msk [tilespmem:v20+s22+$0x0], $0xffff;
	v15 =	vadd.s32 v7, v16  }
0x64: {  	s21 =	simm.s32 $0x13;
	s13 =	simm.s32 $0x12;
	[tilespmem:s5+$0xFFFFFFC0] =	vst v9;
	v9 =	vshrl.u32 v12, $0x3;
	v18 =	vmov s28;
	s28 =	simm.s32 $0x14;
	v16 =	vadd.s32 v0, v17;
	v12 =	vld.idx.msk [tilespmem:v23+s22+$0x0], $0xffff  }
0x65: {  	s24 =	simm.s32 $0x15;
	v19 =	vmov s21;
	s21 =	simm.s32 $0x18;
	v21 =	vmov s13;
	s13 =	simm.s32 $0x16;
	v20 =	vmov s28;
	v17 =	vld.idx.msk [tilespmem:v22+s22+$0x0], $0xffff  }
.LBB2_3:
0x66: {  	p1 =	slt.u32 s21, $0x3E0;
	v22 =	vmov s24;
	v23 =	vmov s13;
	v24 =	vmov s4;
	v14 =	vld.idx.msk [tilespmem:v14+s22+$0x0], $0xffff  }
0x67: {  	v18 =	vshrl.u32 v18, $0x3;
	v21 =	vshrl.u32 v21, $0x3;
	s5 =	sadd.s32 $0x80, s5;
	v24 =	vshrl.u32 v24, $0x3;
	v13 =	vld.idx.msk [tilespmem:v13+s22+$0x0], $0xffff  }
0x68: {  	v19 =	vshrl.u32 v19, $0x3;
	v20 =	vshrl.u32 v20, $0x3;
	v24 =	vshll.u32 v24, v1;
	v15 =	vld.idx.msk [tilespmem:v15+s22+$0x0], $0xffff;
	[tilespmem:s5+$0x30] =	vst v10  }
0x69: {  	v10 =	vshll.u32 v18, v1;
	v18 =	vshrl.u32 v22, $0x3;
	v22 =	vbroadcast v24, $0x0;
	v16 =	vld.idx.msk [tilespmem:v16+s22+$0x0], $0xffff;
	[tilespmem:s5+$0xFFFFFFD0] =	vst v11  }
0x6a: {  	v10 =	vbroadcast v10, $0x0;
	v11 =	vshll.u32 v21, v1;
	v21 =	vshrl.u32 v23, $0x3;
	[tilespmem:s5+$0xFFFFFFE0] =	vst v12  }
0x6b: {  	v11 =	vbroadcast v11, $0x0;
	v12 =	vshll.u32 v19, v1;
	v19 =	vadd.s32 v8, v22;
	[tilespmem:s5+$0xFFFFFFF0] =	vst v17  }
0x6c: {  	v17 =	vadd.s32 v2, v10;
	v10 =	vbroadcast v12, $0x0;
	v12 =	vshll.u32 v20, v1;
	[tilespmem:s5+$0x0] =	vst v14  }
0x6d: {  	v20 =	vadd.s32 v3, v11;
	v11 =	vbroadcast v12, $0x0;
	v12 =	vshll.u32 v18, v1;
	[tilespmem:s5+$0x10] =	vst v13  }
0x6e: {  	v22 =	vadd.s32 v4, v10;
	v10 =	vbroadcast v12, $0x0;
	v12 =	vshll.u32 v21, v1;
	[tilespmem:s5+$0x20] =	vst v15  }
.Ltmp2:
0x6f: {  	v9 =	vshll.u32 v9, v1;
	v14 =	vadd.s32 v5, v11;
	v12 =	vbroadcast v12, $0x0;
	[tilespmem:s5+$0xFFFFFFC0] =	vst v16;
	(pc) =	sbr.rel @p1 .LBB2_3-.Ltmp2, $4  }
0x70: {  	v16 =	vbroadcast v9, $0x0;
	v13 =	vadd.s32 v6, v10;
	v10 =	vld.idx.msk [tilespmem:v19+s22+$0x0], $0xffff  }
0x71: {  	s4 =	sadd.s32 $0x1, s21;
	s13 =	sadd.s32 $0x2, s21;
	v9 =	vmov s21;
	v15 =	vadd.s32 v7, v12;
	v11 =	vld.idx.msk [tilespmem:v17+s22+$0x0], $0xffff  }
0x72: {  	s28 =	sadd.s32 $0x4, s21;
	s24 =	sadd.s32 $0x5, s21;
	v18 =	vmov s4;
	s4 =	sadd.s32 $0x3, s21;
	v9 =	vshrl.u32 v9, $0x3;
	v16 =	vadd.s32 v0, v16;
	v12 =	vld.idx.msk [tilespmem:v20+s22+$0x0], $0xffff  }
0x73: {  	v21 =	vmov s13;
	s13 =	sadd.s32 $0x6, s21;
	v19 =	vmov s4;
	s4 =	sadd.s32 $0x7, s21;
	s21 =	sadd.s32 $0x8, s21;
	v20 =	vmov s28;
	v17 =	vld.idx.msk [tilespmem:v22+s22+$0x0], $0xffff  }
0x74: {  	v22 =	vmov s24;
	v23 =	vmov s13;
	v24 =	vmov s4  }
0x75: {  	v18 =	vshrl.u32 v18, $0x3;
	v21 =	vshrl.u32 v21, $0x3;
	v19 =	vshrl.u32 v19, $0x3  }
0x76: {  	v20 =	vshrl.u32 v20, $0x3;
	v9 =	vshll.u32 v9, v1;
	v24 =	vshrl.u32 v24, $0x3  }
0x77: {  	v18 =	vshll.u32 v18, v1;
	v22 =	vshrl.u32 v22, $0x3;
	v9 =	vbroadcast v9, $0x0  }
0x78: {  	v21 =	vshll.u32 v21, v1;
	v23 =	vshrl.u32 v23, $0x3;
	v18 =	vbroadcast v18, $0x0  }
0x79: {  	v19 =	vshll.u32 v19, v1;
	v21 =	vbroadcast v21, $0x0;
	v9 =	vadd.s32 v0, v9  }
0x7a: {  	v14 =	vld.idx.msk [tilespmem:v14+s22+$0x0], $0xffff;
	s5 =	sadd.s32 $0x80, s5;
	v20 =	vshll.u32 v20, v1;
	v19 =	vbroadcast v19, $0x0;
	v18 =	vadd.s32 v2, v18  }
0x7b: {  	v13 =	vld.idx.msk [tilespmem:v13+s22+$0x0], $0xffff;
	[tilespmem:s5+$0x30] =	vst v10;
	v24 =	vshll.u32 v24, v1;
	v20 =	vbroadcast v20, $0x0;
	v10 =	vadd.s32 v3, v21  }
0x7c: {  	v15 =	vld.idx.msk [tilespmem:v15+s22+$0x0], $0xffff;
	[tilespmem:s5+$0xFFFFFFD0] =	vst v11;
	v24 =	vbroadcast v24, $0x0;
	v21 =	vshll.u32 v22, v1;
	v11 =	vadd.s32 v4, v19  }
0x7d: {  	v16 =	vld.idx.msk [tilespmem:v16+s22+$0x0], $0xffff;
	[tilespmem:s5+$0xFFFFFFE0] =	vst v12;
	v12 =	vadd.s32 v5, v20;
	v19 =	vbroadcast v21, $0x0;
	v21 =	vshll.u32 v23, v1  }
0x7e: {  	[tilespmem:s5+$0xFFFFFFF0] =	vst v17;
	v24 =	vadd.s32 v8, v24;
	v20 =	vbroadcast v21, $0x0;
	v9 =	vld.idx.msk [tilespmem:v9+s22+$0x0], $0xffff  }
0x7f: {  	[tilespmem:s5+$0x0] =	vst v14;
	v17 =	vadd.s32 v6, v19;
	v14 =	vld.idx.msk [tilespmem:v18+s22+$0x0], $0xffff  }
0x80: {  	[tilespmem:s5+$0x10] =	vst v13;
	v18 =	vadd.s32 v7, v20;
	v10 =	vld.idx.msk [tilespmem:v10+s22+$0x0], $0xffff  }
0x81: {  	[tilespmem:s5+$0x20] =	vst v15;
	v11 =	vld.idx.msk [tilespmem:v11+s22+$0x0], $0xffff  }
0x82: {  	s4 =	sadd.s32 $0x80, s5;
	[tilespmem:s5+$0xFFFFFFC0] =	vst v16;
	v12 =	vld.idx.msk [tilespmem:v12+s22+$0x0], $0xffff  }
0x83: {  	v19 =	vld.idx.msk [tilespmem:v24+s22+$0x0], $0xffff;
	[tilespmem:s4+$0xFFFFFFC0] =	vst v9  }
0x84: {  	v13 =	vld.idx.msk [tilespmem:v17+s22+$0x0], $0xffff;
	[tilespmem:s4+$0xFFFFFFD0] =	vst v14  }
0x85: {  	v15 =	vld.idx.msk [tilespmem:v18+s22+$0x0], $0xffff;
	[tilespmem:s4+$0xFFFFFFE0] =	vst v10  }
0x86: {  	[tilespmem:s4+$0xFFFFFFF0] =	vst v11  }
0x87: {  	[tilespmem:s4+$0x0] =	vst v12  }
0x88: {  	[tilespmem:s4+$0x30] =	vst v19  }
0x89: {  	[tilespmem:s4+$0x10] =	vst v13  }
0x8a: {  	s13 =	simm.s32 $0x84D0;
	[tilespmem:s4+$0x20] =	vst v15;
	s4 =	simm.s32 $0x0  }
0x8b: {  	[spmem:s3] =	stream.indirect.scatter.add.f32 [tilespmem:s13], [sflag:$0x3], $0x10, s4, s26, $0xb8;
	[tilespmem:$0x128E0] =	vst v63  }
0x8c: {  	s21 =	simm.s32 $0x8CD0  }
0x8d: {  	[spmem:s3] =	stream.indirect.scatter.add.f32 [tilespmem:s21], [sflag:$0x3], $0x10, s26, s26, $0xb8;
	[tilespmem:$0x128E0] =	vst v63  }
0x8e: {  	s24 =	simm.s32 $0x100;
	s28 =	simm.s32 $0x94D0;
	s5 =	simm.s32 $0x1  }
0x8f: {  	[spmem:s3] =	stream.indirect.scatter.add.f32 [tilespmem:s28], [sflag:$0x3], $0x10, s24, s26, $0xb8;
	[tilespmem:$0x128E0] =	vst v63  }
0x90: {  	v10 =	vmov s5;
	s5 =	simm.s32 $0x6;
	s13 =	simm.s32 $0x180;
	s21 =	simm.s32 $0x9CD0  }
0x91: {  	[spmem:s3] =	stream.indirect.scatter.add.f32 [tilespmem:s21], [sflag:$0x3], $0x10, s13, s26, $0xb8;
	[tilespmem:$0x128E0] =	vst v63  }
0x92: {  	v10 =	vshrl.u32 v10, $0x3;
	v15 =	vmov s5;
	s24 =	simm.s32 $0x200;
	s28 =	simm.s32 $0xA4D0  }
0x93: {  	v10 =	vshll.u32 v10, v1;
	v15 =	vshrl.u32 v15, $0x3;
	[spmem:s3] =	stream.indirect.scatter.add.f32 [tilespmem:s28], [sflag:$0x3], $0x10, s24, s26, $0xb8;
	[tilespmem:$0x128E0] =	vst v63  }
0x94: {  	v10 =	vbroadcast v10, $0x0;
	v9 =	vmov s4;
	v15 =	vshll.u32 v15, v1;
	s13 =	simm.s32 $0x2;
	s24 =	simm.s32 $0x3;
	s28 =	simm.s32 $0x4  }
0x95: {  	v11 =	vmov s13;
	s13 =	simm.s32 $0x7;
	v12 =	vmov s24;
	v13 =	vmov s28;
	s24 =	simm.s32 $0x280;
	s28 =	simm.s32 $0xACD0  }
0x96: {  	v9 =	vshrl.u32 v9, $0x3;
	v15 =	vbroadcast v15, $0x0;
	[spmem:s3] =	stream.indirect.scatter.add.f32 [tilespmem:s28], [sflag:$0x3], $0x10, s24, s26, $0xb8;
	[tilespmem:$0x128E0] =	vst v63  }
0x97: {  	s5 =	simm.s32 $0x300;
	v10 =	vadd.s32 v2, v10;
	v9 =	vshll.u32 v9, v1;
	s21 =	simm.s32 $0x5;
	v16 =	vmov s13;
	s13 =	simm.s32 $0xB4D0  }
0x98: {  	v9 =	vbroadcast v9, $0x0;
	v15 =	vadd.s32 v7, v15;
	v16 =	vshrl.u32 v16, $0x3;
	[spmem:s3] =	stream.indirect.scatter.add.f32 [tilespmem:s13], [sflag:$0x3], $0x10, s5, s26, $0xb8;
	[tilespmem:$0x128E0] =	vst v63  }
0x99: {  	v14 =	vmov s21;
	s21 =	simm.s32 $0x380;
	v11 =	vshrl.u32 v11, $0x3;
	v16 =	vshll.u32 v16, v1;
	s24 =	simm.s32 $0xBCD0  }
0x9a: {  	v14 =	vshrl.u32 v14, $0x3;
	v12 =	vshrl.u32 v12, $0x3;
	v16 =	vbroadcast v16, $0x0;
	[spmem:s3] =	stream.indirect.scatter.add.f32 [tilespmem:s24], [sflag:$0x3], $0x10, s21, s14, $0xb8;
	[tilespmem:$0x128E0] =	vst v63  }
0x9b: {  	v11 =	vshll.u32 v11, v1;
	v14 =	vshll.u32 v14, v1;
	v12 =	vshll.u32 v12, v1;
	_ =	swait.ge [sflag:s19], $0x3E8  }
0x9c: {  	v13 =	vshrl.u32 v13, $0x3;
	v12 =	vbroadcast v12, $0x0;
	v16 =	vadd.s32 v8, v16;
	[sflag:s19] =	ssyncset.done $0x0  }
0x9d: {  	v11 =	vbroadcast v11, $0x0;
	v14 =	vbroadcast v14, $0x0;
	v13 =	vshll.u32 v13, v1;
	[sflag:s19] =	ssyncadd.s32 $0xFFFFFC18  }
0x9e: {  	v9 =	vadd.s32 v0, v9;
	s28 =	simm.s32 $0x8;
	v13 =	vbroadcast v13, $0x0;
	v12 =	vadd.s32 v4, v12;
	_ =	swait.ge [sflag:s19], $0x3E80  }
0x9f: {  	v17 =	vmov s28;
	s28 =	simm.s32 $0xD;
	v11 =	vadd.s32 v3, v11;
	v14 =	vadd.s32 v6, v14;
	[sflag:s19] =	ssyncset.done $0x0  }
0xa0: {  	s5 =	simm.s32 $0x9;
	s13 =	simm.s32 $0xA;
	v17 =	vshrl.u32 v17, $0x3;
	v22 =	vmov s28;
	v13 =	vadd.s32 v5, v13;
	[sflag:s19] =	ssyncadd.s32 $0xFFFFC180  }
0xa1: {  	v18 =	vmov s5;
	v19 =	vmov s13;
	s5 =	simm.s32 $0xF;
	s13 =	simm.s32 $0xE;
	v22 =	vshrl.u32 v22, $0x3;
	v16 =	vld.idx.msk [tilespmem:v16+s23+$0x0], $0xffff  }
0xa2: {  	v23 =	vmov s5;
	v63 =	vmov s13;
	v18 =	vshrl.u32 v18, $0x3;
	v10 =	vld.idx.msk [tilespmem:v10+s23+$0x0], $0xffff  }
0xa3: {  	s21 =	simm.s32 $0xB;
	v19 =	vshrl.u32 v19, $0x3;
	v23 =	vshrl.u32 v23, $0x3;
	v18 =	vshll.u32 v18, v1;
	v12 =	vld.idx.msk [tilespmem:v12+s23+$0x0], $0xffff  }
0xa4: {  	s24 =	simm.s32 $0xC;
	v20 =	vmov s21;
	v23 =	vshll.u32 v23, v1;
	v18 =	vbroadcast v18, $0x0;
	v11 =	vld.idx.msk [tilespmem:v11+s23+$0x0], $0xffff  }
0xa5: {  	s5 =	simm.s32 $0xC3C0;
	v21 =	vmov s24;
	v19 =	vshll.u32 v19, v1;
	v23 =	vbroadcast v23, $0x0;
	v13 =	vld.idx.msk [tilespmem:v13+s23+$0x0], $0xffff  }
0xa6: {  	v20 =	vshrl.u32 v20, $0x3;
	v21 =	vshrl.u32 v21, $0x3;
	v18 =	vadd.s32 v2, v18;
	v14 =	vld.idx.msk [tilespmem:v14+s23+$0x0], $0xffff;
	[tilespmem:s5+$0x0] =	vst v16  }
0xa7: {  	v16 =	vbroadcast v19, $0x0;
	v19 =	vshll.u32 v20, v1;
	v20 =	vadd.s32 v8, v23;
	[tilespmem:s5+$0xFFFFFFA0] =	vst v10  }
0xa8: {  	v15 =	vld.idx.msk [tilespmem:v15+s23+$0x0], $0xffff;
	[tilespmem:s5+$0xFFFFFFC0] =	vst v12;
	v12 =	vshll.u32 v22, v1;
	v10 =	vbroadcast v19, $0x0;
	v19 =	vshll.u32 v21, v1  }
0xa9: {  	v9 =	vld.idx.msk [tilespmem:v9+s23+$0x0], $0xffff;
	[tilespmem:s5+$0xFFFFFFB0] =	vst v11;
	v21 =	vshrl.u32 v63, $0x3;
	v23 =	vadd.s32 v3, v16;
	v11 =	vbroadcast v19, $0x0  }
0xaa: {  	[tilespmem:s5+$0xFFFFFFD0] =	vst v13;
	v12 =	vbroadcast v12, $0x0;
	v22 =	vadd.s32 v4, v10;
	v10 =	vshll.u32 v21, v1  }
0xab: {  	v13 =	vshll.u32 v17, v1;
	[tilespmem:s5+$0xFFFFFFE0] =	vst v14;
	v16 =	vbroadcast v10, $0x0;
	v14 =	vadd.s32 v5, v11  }
0xac: {  	s24 =	simm.s32 $0x10;
	v17 =	vbroadcast v13, $0x0;
	v13 =	vadd.s32 v6, v12;
	v11 =	vld.idx.msk [tilespmem:v18+s23+$0x0], $0xffff  }
0xad: {  	s4 =	simm.s32 $0x16;
	s28 =	simm.s32 $0x11;
	[tilespmem:s5+$0xFFFFFFF0] =	vst v15;
	v12 =	vmov s24;
	v10 =	vld.idx.msk [tilespmem:v20+s23+$0x0], $0xffff;
	v15 =	vadd.s32 v7, v16  }
0xae: {  	s13 =	simm.s32 $0x12;
	s21 =	simm.s32 $0x13;
	[tilespmem:s5+$0xFFFFFF90] =	vst v9;
	v9 =	vshrl.u32 v12, $0x3;
	v18 =	vmov s28;
	s28 =	simm.s32 $0x14;
	v16 =	vadd.s32 v0, v17;
	v12 =	vld.idx.msk [tilespmem:v23+s23+$0x0], $0xffff  }
0xaf: {  	v19 =	vmov s21;
	s21 =	simm.s32 $0x18;
	s24 =	simm.s32 $0x15;
	v21 =	vmov s13;
	s13 =	simm.s32 $0x17;
	v20 =	vmov s28;
	v17 =	vld.idx.msk [tilespmem:v22+s23+$0x0], $0xffff  }
.LBB2_5:
0xb0: {  	p1 =	slt.u32 s21, $0x3E0;
	v22 =	vmov s24;
	v23 =	vmov s4;
	v24 =	vmov s13;
	v14 =	vld.idx.msk [tilespmem:v14+s23+$0x0], $0xffff  }
0xb1: {  	v18 =	vshrl.u32 v18, $0x3;
	v21 =	vshrl.u32 v21, $0x3;
	s5 =	sadd.s32 $0x80, s5;
	v24 =	vshrl.u32 v24, $0x3;
	v13 =	vld.idx.msk [tilespmem:v13+s23+$0x0], $0xffff  }
0xb2: {  	v19 =	vshrl.u32 v19, $0x3;
	v20 =	vshrl.u32 v20, $0x3;
	v24 =	vshll.u32 v24, v1;
	v15 =	vld.idx.msk [tilespmem:v15+s23+$0x0], $0xffff;
	[tilespmem:s5+$0x0] =	vst v10  }
0xb3: {  	v10 =	vshll.u32 v18, v1;
	v18 =	vshrl.u32 v22, $0x3;
	v22 =	vbroadcast v24, $0x0;
	v16 =	vld.idx.msk [tilespmem:v16+s23+$0x0], $0xffff;
	[tilespmem:s5+$0xFFFFFFA0] =	vst v11  }
0xb4: {  	v10 =	vbroadcast v10, $0x0;
	v11 =	vshll.u32 v21, v1;
	v21 =	vshrl.u32 v23, $0x3;
	[tilespmem:s5+$0xFFFFFFB0] =	vst v12  }
0xb5: {  	v11 =	vbroadcast v11, $0x0;
	v12 =	vshll.u32 v19, v1;
	v19 =	vadd.s32 v8, v22;
	[tilespmem:s5+$0xFFFFFFC0] =	vst v17  }
0xb6: {  	v17 =	vadd.s32 v2, v10;
	v10 =	vbroadcast v12, $0x0;
	v12 =	vshll.u32 v20, v1;
	[tilespmem:s5+$0xFFFFFFD0] =	vst v14  }
0xb7: {  	v20 =	vadd.s32 v3, v11;
	v11 =	vbroadcast v12, $0x0;
	v12 =	vshll.u32 v18, v1;
	[tilespmem:s5+$0xFFFFFFE0] =	vst v13  }
0xb8: {  	v22 =	vadd.s32 v4, v10;
	v10 =	vbroadcast v12, $0x0;
	v12 =	vshll.u32 v21, v1;
	[tilespmem:s5+$0xFFFFFFF0] =	vst v15  }
.Ltmp3:
0xb9: {  	v9 =	vshll.u32 v9, v1;
	v14 =	vadd.s32 v5, v11;
	v12 =	vbroadcast v12, $0x0;
	[tilespmem:s5+$0xFFFFFF90] =	vst v16;
	(pc) =	sbr.rel @p1 .LBB2_5-.Ltmp3, $4  }
0xba: {  	v16 =	vbroadcast v9, $0x0;
	v13 =	vadd.s32 v6, v10;
	v10 =	vld.idx.msk [tilespmem:v19+s23+$0x0], $0xffff  }
0xbb: {  	s4 =	sadd.s32 $0x1, s21;
	s13 =	sadd.s32 $0x2, s21;
	v9 =	vmov s21;
	v15 =	vadd.s32 v7, v12;
	v11 =	vld.idx.msk [tilespmem:v17+s23+$0x0], $0xffff  }
0xbc: {  	s28 =	sadd.s32 $0x4, s21;
	s24 =	sadd.s32 $0x5, s21;
	v18 =	vmov s4;
	s4 =	sadd.s32 $0x3, s21;
	v9 =	vshrl.u32 v9, $0x3;
	v16 =	vadd.s32 v0, v16;
	v12 =	vld.idx.msk [tilespmem:v20+s23+$0x0], $0xffff  }
0xbd: {  	v21 =	vmov s13;
	s13 =	sadd.s32 $0x7, s21;
	v19 =	vmov s4;
	s4 =	sadd.s32 $0x6, s21;
	s21 =	sadd.s32 $0x8, s21;
	v20 =	vmov s28;
	v17 =	vld.idx.msk [tilespmem:v22+s23+$0x0], $0xffff  }
0xbe: {  	v22 =	vmov s24;
	v23 =	vmov s4;
	v24 =	vmov s13  }
0xbf: {  	v18 =	vshrl.u32 v18, $0x3;
	v21 =	vshrl.u32 v21, $0x3;
	v19 =	vshrl.u32 v19, $0x3  }
0xc0: {  	v20 =	vshrl.u32 v20, $0x3;
	v9 =	vshll.u32 v9, v1;
	v24 =	vshrl.u32 v24, $0x3  }
0xc1: {  	v18 =	vshll.u32 v18, v1;
	v22 =	vshrl.u32 v22, $0x3;
	v9 =	vbroadcast v9, $0x0  }
0xc2: {  	v21 =	vshll.u32 v21, v1;
	v23 =	vshrl.u32 v23, $0x3;
	v18 =	vbroadcast v18, $0x0  }
0xc3: {  	v19 =	vshll.u32 v19, v1;
	v21 =	vbroadcast v21, $0x0;
	v9 =	vadd.s32 v0, v9  }
0xc4: {  	v14 =	vld.idx.msk [tilespmem:v14+s23+$0x0], $0xffff;
	s24 =	sadd.s32 $0x80, s5;
	v20 =	vshll.u32 v20, v1;
	v19 =	vbroadcast v19, $0x0;
	v18 =	vadd.s32 v2, v18  }
0xc5: {  	v13 =	vld.idx.msk [tilespmem:v13+s23+$0x0], $0xffff;
	[tilespmem:s24+$0x0] =	vst v10;
	v24 =	vshll.u32 v24, v1;
	v20 =	vbroadcast v20, $0x0;
	v10 =	vadd.s32 v3, v21  }
0xc6: {  	v15 =	vld.idx.msk [tilespmem:v15+s23+$0x0], $0xffff;
	v53 =	vshll.u32 v22, v1;
	[tilespmem:s24+$0xFFFFFFA0] =	vst v11;
	v24 =	vbroadcast v24, $0x0;
	v11 =	vadd.s32 v4, v19  }
0xc7: {  	v16 =	vld.idx.msk [tilespmem:v16+s23+$0x0], $0xffff;
	v55 =	vshll.u32 v23, v1;
	v54 =	vbroadcast v53, $0x0;
	[tilespmem:s24+$0xFFFFFFB0] =	vst v12;
	v56 =	vadd.s32 v5, v20  }
0xc8: {  	v57 =	vbroadcast v55, $0x0;
	[tilespmem:s24+$0xFFFFFFC0] =	vst v17;
	v24 =	vadd.s32 v8, v24;
	v9 =	vld.idx.msk [tilespmem:v9+s23+$0x0], $0xffff  }
0xc9: {  	v58 =	vadd.s32 v6, v54;
	[tilespmem:s24+$0xFFFFFFD0] =	vst v14;
	v60 =	vld.idx.msk [tilespmem:v18+s23+$0x0], $0xffff  }
0xca: {  	v61 =	vadd.s32 v7, v57;
	[tilespmem:s24+$0xFFFFFFE0] =	vst v13;
	v10 =	vld.idx.msk [tilespmem:v10+s23+$0x0], $0xffff  }
0xcb: {  	[tilespmem:s24+$0xFFFFFFF0] =	vst v15;
	v11 =	vld.idx.msk [tilespmem:v11+s23+$0x0], $0xffff  }
0xcc: {  	s4 =	sadd.s32 $0x80, s24;
	[tilespmem:s24+$0xFFFFFF90] =	vst v16;
	v12 =	vld.idx.msk [tilespmem:v56+s23+$0x0], $0xffff  }
0xcd: {  	v59 =	vld.idx.msk [tilespmem:v24+s23+$0x0], $0xffff;
	[tilespmem:s4+$0xFFFFFF90] =	vst v9  }
0xce: {  	v62 =	vld.idx.msk [tilespmem:v58+s23+$0x0], $0xffff;
	[tilespmem:s4+$0xFFFFFFA0] =	vst v60  }
0xcf: {  	v63 =	vld.idx.msk [tilespmem:v61+s23+$0x0], $0xffff;
	[tilespmem:s4+$0xFFFFFFB0] =	vst v10  }
0xd0: {  	[tilespmem:s4+$0xFFFFFFC0] =	vst v11  }
0xd1: {  	[tilespmem:s4+$0xFFFFFFD0] =	vst v12  }
0xd2: {  	[tilespmem:s4+$0x0] =	vst v59  }
0xd3: {  	[tilespmem:s4+$0xFFFFFFE0] =	vst v62  }
0xd4: {  	[tilespmem:s4+$0xFFFFFFF0] =	vst v63  }
0xd5: {  	_ =	swait.ge [sflag:s18], $0x800  }
0xd6: {  	[sflag:s18] =	ssyncset.done $0x0  }
0xd7: {  	[sflag:s18] =	ssyncadd.s32 $0xFFFFF800  }
0xd8: {  	_ =	swait.ge [sflag:s18], $0x800  }
0xd9: {  	[sflag:s18] =	ssyncset.done $0x0  }
0xda: {  	[sflag:s18] =	ssyncadd.s32 $0xFFFFF800  }
0xdb: {  	_ =	swait.ge [sflag:s18], $0x800  }
0xdc: {  	[sflag:s18] =	ssyncset.done $0x0  }
0xdd: {  	[sflag:s18] =	ssyncadd.s32 $0xFFFFF800  }
0xde: {  	_ =	swait.ge [sflag:s18], $0x800  }
0xdf: {  	[sflag:s18] =	ssyncset.done $0x0  }
0xe0: {  	[sflag:s18] =	ssyncadd.s32 $0xFFFFF800  }
0xe1: {  	_ =	swait.ge [sflag:s18], $0x800  }
0xe2: {  	[sflag:s18] =	ssyncset.done $0x0  }
0xe3: {  	[sflag:s18] =	ssyncadd.s32 $0xFFFFF800  }
0xe4: {  	_ =	swait.ge [sflag:s18], $0x800  }
0xe5: {  	[sflag:s18] =	ssyncset.done $0x0  }
0xe6: {  	[sflag:s18] =	ssyncadd.s32 $0xFFFFF800  }
0xe7: {  	p1 =	seq.s32 s15, $0x4;
	_ =	swait.ge [sflag:s18], $0x800  }
0xe8: {  	s4 =	smul.u32 @!p1 $0x7D0, s15;
	[sflag:s18] =	ssyncset.done $0x0  }
0xe9: {  	[sflag:s18] =	ssyncadd.s32 $0xFFFFF800  }
0xea: {  	s4 =	sadd.s32 @!p1 s4, s16;
	_ =	swait.ge [sflag:s18], $0x680  }
0xeb: {  	s13 =	simm.s32 @!p1 $0x0;
	s4 =	sshrl.u32 @!p1 s4, $0x3;
	[sflag:s18] =	ssyncset.done $0x0  }
0xec: {  	s21 =	simm.s32 @!p1 $0x7D0;
	s5 =	sadd.s32 @!p1 s6, s4;
	[sflag:s18] =	ssyncadd.s32 $0xFFFFF980  }
0xed: {  	[tilespmem:s13], [sflag:$0x1] =	stream.linear.gather @!p1 [hbm4b:s5+s13], $0x3E8, $0x38;
	[tilespmem:$0x128E0] =	vst v63  }
0xee: {  	s4 =	sadd.s32 @!p1 s1, s4;
	s5 =	simm.s32 @!p1 $0x3E8;
	s13 =	simm.s32 @!p1 $0x4E200  }
0xef: {  	[tilespmem:s21], [sflag:$0x1] =	stream.strided.gather @!p1 [hbm4b:s4+s5], $0x3E80, s13, s5, $0x38;
	[tilespmem:$0x128E0] =	vst v63  }
0xf0: {  	s28 =	simm.s32 $0xC350  }
0xf1: {  	[spmem:s3] =	stream.indirect.scatter.add.f32 [tilespmem:s28], [sflag:$0x3], $0x10, s20, s26, $0xb8;
	[tilespmem:$0x128E0] =	vst v63  }
0xf2: {  	s5 =	simm.s32 $0x468;
	s13 =	simm.s32 $0xCB50  }
0xf3: {  	[spmem:s3] =	stream.indirect.scatter.add.f32 [tilespmem:s13], [sflag:$0x3], $0x10, s5, s26, $0xb8;
	[tilespmem:$0x128E0] =	vst v63  }
0xf4: {  	s24 =	simm.s32 $0xD350;
	s21 =	simm.s32 $0x4E8  }
0xf5: {  	[spmem:s3] =	stream.indirect.scatter.add.f32 [tilespmem:s24], [sflag:$0x3], $0x10, s21, s26, $0xb8;
	[tilespmem:$0x128E0] =	vst v63  }
0xf6: {  	s28 =	simm.s32 $0x568  }
0xf7: {  	[spmem:s3] =	stream.indirect.scatter.add.f32 [tilespmem:s31], [sflag:$0x3], $0x10, s28, s26, $0xb8;
	[tilespmem:$0x128E0] =	vst v63  }
0xf8: {  	_ = 	snop  }
0xf9: {  	[spmem:s3] =	stream.indirect.scatter.add.f32 [tilespmem:s2], [sflag:$0x3], $0x10, s0, s26, $0xb8;
	[tilespmem:$0x128E0] =	vst v63  }
0xfa: {  	_ = 	snop  }
0xfb: {  	[spmem:s3] =	stream.indirect.scatter.add.f32 [tilespmem:s8], [sflag:$0x3], $0x10, s7, s26, $0xb8;
	[tilespmem:$0x128E0] =	vst v63  }
0xfc: {  	_ = 	snop  }
0xfd: {  	[spmem:s3] =	stream.indirect.scatter.add.f32 [tilespmem:s10], [sflag:$0x3], $0x10, s9, s26, $0xb8;
	[tilespmem:$0x128E0] =	vst v63  }
0xfe: {  	_ = 	snop  }
0xff: {  	[spmem:s3] =	stream.indirect.scatter.add.f32 [tilespmem:s12], [sflag:$0x3], $0x10, s11, s14, $0xb8;
	[tilespmem:$0x128E0] =	vst v63  }
0x100: {  	_ =	swait.ge [sflag:s18], $0x800  }
0x101: {  	[sflag:s18] =	ssyncset.done $0x0  }
0x102: {  	[sflag:s18] =	ssyncadd.s32 $0xFFFFF800  }
0x103: {  	_ =	swait.ge [sflag:s18], $0x800  }
0x104: {  	[sflag:s18] =	ssyncset.done $0x0  }
0x105: {  	[sflag:s18] =	ssyncadd.s32 $0xFFFFF800  }
0x106: {  	_ =	swait.ge [sflag:s18], $0x800  }
0x107: {  	[sflag:s18] =	ssyncset.done $0x0  }
0x108: {  	[sflag:s18] =	ssyncadd.s32 $0xFFFFF800  }
0x109: {  	_ =	swait.ge [sflag:s18], $0x800  }
0x10a: {  	[sflag:s18] =	ssyncset.done $0x0  }
0x10b: {  	[sflag:s18] =	ssyncadd.s32 $0xFFFFF800  }
0x10c: {  	_ =	swait.ge [sflag:s18], $0x800  }
0x10d: {  	[sflag:s18] =	ssyncset.done $0x0  }
0x10e: {  	[sflag:s18] =	ssyncadd.s32 $0xFFFFF800  }
0x10f: {  	_ =	swait.ge [sflag:s18], $0x800  }
0x110: {  	[sflag:s18] =	ssyncset.done $0x0  }
0x111: {  	[sflag:s18] =	ssyncadd.s32 $0xFFFFF800  }
0x112: {  	_ =	swait.ge [sflag:s18], $0x800  }
.Ltmp4:
0x113: {  	[sflag:s18] =	ssyncset.done $0x0;
	(pc) =	sbr.rel @p1 .LBB2_8-.Ltmp4, $4  }
0x114: {  	[sflag:s18] =	ssyncadd.s32 $0xFFFFF800  }
0x115: {  	_ =	swait.ge [sflag:s18], $0x680  }
0x116: {  	[sflag:s18] =	ssyncset.done $0x0  }
0x117: {  	[sflag:s18] =	ssyncadd.s32 $0xFFFFF980  }
0x118: {  	s4 =	smul.u32 $0x7D0, s15;
	_ =	sdelay $0x1  }
0x119: {  	s4 =	sadd.s32 s4, s17  }
.Ltmp5:
0x11a: {  	s4 =	sshrl.u32 s4, $0x3;
	(pc) =	sbr.rel .LBB2_2-.Ltmp5, $4  }
0x11b: {  	s5 =	sadd.s32 s6, s4  }
0x11c: {  	[tilespmem:s20], [sflag:$0x2] =	stream.linear.gather [hbm4b:s5+s29], $0x3E8, $0x38;
	[tilespmem:$0x128E0] =	vst v63  }
0x11d: {  	s15 =	sadd.s32 $0x1, s15;
	s4 =	sadd.s32 s1, s4  }
0x11e: {  	[tilespmem:s23], [sflag:$0x2] =	stream.strided.gather [hbm4b:s4+s20], $0x3E80, s30, s20, $0x38;
	[tilespmem:$0x128E0] =	vst v63  }
.LBB2_9:
0x11f: {  	_ =	sfence.sel $0x180000  }
0x120: {  	[bflag:$0x0] =	sbarrier.arrive $0xFFFF  }
0x121: {  	_ =	strace $0x90000047  }
0x122: {  	s0 =	stileid.u32;
	[bflag:$0x2] =	sbarrier.arrive $0xFFFF  }
0x123: {  	p0 =	sne.s32 s0, $0x0;
	s0 =	rddreg [dreg:$0x5]  }
0x124: {  	s0 =	sadd.s32 @!p0 $0x100000, s0  }
0x125: {  	[sflag:s0] =	ssyncadd.tile.s32 @!p0 $0x1;
	_ =	shalt  }
.Lfunc_end2:
_tile_overlayer_lowered:
.L_overlay_start_2:
0x126: {  	(tag) =	ssettag $0x2  }
0x127: {  	s0 =	rddreg [dreg:$0x0];
	s2 =	stileid.u32  }
0x128: {  	s1 =	rddreg [dreg:$0x1];
	p0 =	sne.s32 s2, $0x0  }
0x129: {  	s3 =	rddreg [dreg:$0x2];
	[bflag:$0x3] =	sbarrier.arrive $0xFFFF;
	s2 =	simm.s32 @!p0 $0x1C04  }
0x12a: {  	[timem:s3], [sflag:s2] =	dma.local @!p0 [hbm:s0], s1  }
0x12b: {  	s0 =	simm.s32 @!p0 $0x4  }
0x12c: {  	_ =	swait.ge @!p0 [sflag:s0], s1  }
0x12d: {  	s1 =	ssub.s32 @!p0 $0x0, s1;
	[sflag:s0] =	ssyncset.done @!p0 $0x0  }
0x12e: {  	[sflag:s0] =	ssyncadd.s32 @!p0 s1  }
0x12f: {  	[bflag:$0x3] =	sbarrier.arrive $0xFFFF  }
0x130: {  	_ =	shalt  }

</sc_bundles>
